<compile_context>
chip_gen: v7x
topology: tpu7x:2x2x1
jax: 0.10.2.dev20260603
libtpu: 0.0.44.dev20260713+nightly
codegen_flags: <defaults>
</compile_context>

<pallas_src>
import functools

import jax
import jax.numpy as jnp
from jax import lax
from jax.experimental import pallas as pl
from jax.experimental.pallas import tpu as pltpu
from jax.experimental.pallas import tpu_sc as plsc

_DIM = 1024
_NE = 8
_NG = 4
_BLK = 2048

_NC = 2
_NS = 16
_NW = _NC * _NS
_L = 16


def _tc_scores_body(x_ref, w_ref, st_ref):
    x = x_ref[...]
    w = w_ref[...]
    raw = jax.lax.dot_general(
        x, w, (((1,), (1,)), ((), ())),
        preferred_element_type=jnp.float32)
    st_ref[...] = jax.nn.sigmoid(raw).T


def _tc_scores(x, w):
    n_tok = x.shape[0]
    return pl.pallas_call(
        _tc_scores_body,
        grid=(n_tok // _BLK,),
        in_specs=[
            pl.BlockSpec((_BLK, _DIM), lambda i: (i, 0)),
            pl.BlockSpec((_NE, _DIM), lambda i: (0, 0)),
        ],
        out_specs=pl.BlockSpec((_NE, _BLK), lambda i: (0, i)),
        out_shape=jax.ShapeDtypeStruct((_NE, n_tok), jnp.float32),
    )(x, w)


def _sc_route_body(tw, st_hbm, w0_hbm, w1_hbm, i0_hbm, i1_hbm,
                   s_v, w0_v, w1_v, i0_v, i1_v):
    wid = lax.axis_index("s") * _NC + lax.axis_index("c")
    base = wid * tw
    pltpu.sync_copy(st_hbm.at[:, pl.ds(base, tw)], s_v)

    neg = jnp.full((_L,), -jnp.inf, jnp.float32)
    one = jnp.full((_L,), 1, jnp.int32)
    zero = jnp.full((_L,), 0, jnp.int32)
    def step(t, carry):
        off = t * _L
        s = [s_v[e, pl.ds(off, _L)] for e in range(_NE)]
        g = [jnp.maximum(s[2 * j], s[2 * j + 1]) for j in range(_NG)]
        cnt = [zero] * _NG
        for j in range(_NG):
            for k in range(j + 1, _NG):
                jk = g[j] >= g[k]
                cnt[k] = cnt[k] + jnp.where(jk, one, zero)
                cnt[j] = cnt[j] + jnp.where(jk, zero, one)
        sel = [cnt[j] < 2 for j in range(_NG)]
        m = [jnp.where(sel[e // 2], s[e], neg) for e in range(_NE)]
        best, bidx = m[0], zero
        for e in range(1, _NE):
            c = m[e] > best
            best = jnp.where(c, m[e], best)
            bidx = jnp.where(c, jnp.full((_L,), e, jnp.int32), bidx)
        m2 = [jnp.where(bidx == e, neg, m[e]) for e in range(_NE)]
        best2, bidx2 = m2[0], zero
        for e in range(1, _NE):
            c = m2[e] > best2
            best2 = jnp.where(c, m2[e], best2)
            bidx2 = jnp.where(c, jnp.full((_L,), e, jnp.int32), bidx2)
        tot = best + best2
        w0_v[pl.ds(off, _L)] = best / tot
        w1_v[pl.ds(off, _L)] = best2 / tot
        i0_v[pl.ds(off, _L)] = bidx
        i1_v[pl.ds(off, _L)] = bidx2
        return carry

    plsc.parallel_loop(0, tw // _L, 1, unroll=4)(lambda t: step(t, None))

    pltpu.sync_copy(w0_v, w0_hbm.at[pl.ds(base, tw)])
    pltpu.sync_copy(w1_v, w1_hbm.at[pl.ds(base, tw)])
    pltpu.sync_copy(i0_v, i0_hbm.at[pl.ds(base, tw)])
    pltpu.sync_copy(i1_v, i1_hbm.at[pl.ds(base, tw)])


def _sc_route(st):
    n_tok = st.shape[1]
    tw = n_tok // _NW
    mesh = plsc.VectorSubcoreMesh(core_axis_name="c", subcore_axis_name="s")
    f = functools.partial(
        pl.kernel,
        out_type=[
            jax.ShapeDtypeStruct((n_tok,), jnp.float32),
            jax.ShapeDtypeStruct((n_tok,), jnp.float32),
            jax.ShapeDtypeStruct((n_tok,), jnp.int32),
            jax.ShapeDtypeStruct((n_tok,), jnp.int32),
        ],
        mesh=mesh,
        scratch_types=[
            pltpu.VMEM((_NE, tw), jnp.float32),
            pltpu.VMEM((tw,), jnp.float32),
            pltpu.VMEM((tw,), jnp.float32),
            pltpu.VMEM((tw,), jnp.int32),
            pltpu.VMEM((tw,), jnp.int32),
        ],
    )(functools.partial(_sc_route_body, tw))
    return f(st)


@jax.jit
def kernel(x, weight):
    st = _tc_scores(x, weight)
    w0, w1, i0, i1 = _sc_route(st)
    return jnp.stack([w0, w1], axis=1), jnp.stack([i0, i1], axis=1)

# --- scband reference (transcript-rebuilt; emitter-appended) ---
"""Pipeline reference for scband-gate-66803921322557 (READ-ONLY COPY).

The authoritative reference and input builder live on the scoring server;
editing this copy changes nothing except your own understanding.
"""

import jax, jax.numpy as jnp
import numpy as np

DIM = 1024
N_EXPERTS = 8
TOPK = 2
N_GROUPS = 4
TOPK_GROUPS = 2
ROUTE_SCALE = 1.0
N_TOKENS = 32768


def setup_inputs(seed: int = 0) -> dict:
    key = jax.random.key(seed)
    k1, k2 = jax.random.split(key)
    x = jax.random.normal(k1, (N_TOKENS, DIM), dtype=jnp.float32)
    weight = jax.random.normal(k2, (N_EXPERTS, DIM), dtype=jnp.float32) * 0.02
    return {"x": x, "weight": weight}


def reference(x, weight):
    n_tok = x.shape[0]
    # Linear(x, self.weight): scores = x @ W^T
    scores = jnp.dot(x, weight.T)
    # score_func == 'sigmoid'
    scores = jax.nn.sigmoid(scores)
    original_scores = scores
    # bias is None (dim != 7168), so no bias add
    # grouped routing: n_groups > 1
    s = scores.reshape(n_tok, N_GROUPS, -1)
    # bias is None -> group_scores = amax over experts in group
    group_scores = jnp.max(s, axis=-1)
    _, g_idx = jax.lax.top_k(group_scores, TOPK_GROUPS)
    mask = jnp.ones((n_tok, N_GROUPS), dtype=bool).at[
        jnp.arange(n_tok)[:, None], g_idx
    ].set(False)
    s = jnp.where(mask[:, :, None], -jnp.inf, s)
    scores = s.reshape(n_tok, -1)
    _, indices = jax.lax.top_k(scores, TOPK)
    weights = jnp.take_along_axis(original_scores, indices, axis=1)
    # sigmoid branch: normalize selected weights
    weights = weights / jnp.sum(weights, axis=-1, keepdims=True)
    weights = weights * ROUTE_SCALE
    return weights.astype(x.dtype), indices

if __name__ == "__main__":
    import jax
    _d = setup_inputs()
    print(jax.jit(kernel)(*tuple(_d.values())))

</pallas_src>

<mosaic_0001>
#map = affine_map<(d0, d1) -> (0, 0)>
#map1 = affine_map<(d0, d1) -> (0)>
module attributes {stable_mosaic.version = 14 : i64} {
  func.func @_sc_route_body(%arg0: i32, %arg1: i32, %arg2: memref<8x32768xf32, #tpu.memory_space<hbm>>, %arg3: memref<32768xf32, #tpu.memory_space<hbm>>, %arg4: memref<32768xf32, #tpu.memory_space<hbm>>, %arg5: memref<32768xi32, #tpu.memory_space<hbm>>, %arg6: memref<32768xi32, #tpu.memory_space<hbm>>, %arg7: memref<8x1024xf32, #tpu.memory_space<vmem>>, %arg8: memref<1024xf32, #tpu.memory_space<vmem>>, %arg9: memref<1024xf32, #tpu.memory_space<vmem>>, %arg10: memref<1024xi32, #tpu.memory_space<vmem>>, %arg11: memref<1024xi32, #tpu.memory_space<vmem>>) attributes {dimension_semantics = [#tpu.dimension_semantics<core_parallel>, #tpu.dimension_semantics<subcore_parallel>], iteration_bounds = array<i64: 2, 16>, scalar_prefetch = 0 : i64, scratch_operands = 5 : i64, tpu.core_type = #tpu.core_type<sc_vector_subcore>, window_params = [{transform_indices = #map}, {transform_indices = #map1}, {transform_indices = #map1}, {transform_indices = #map1}, {transform_indices = #map1}]} {
    %mul3A = arith.constant 2 : i32
    %mul3A_0 = arith.muli %arg1, %mul3A : i32
    %add3A = arith.addi %mul3A_0, %arg0 : i32
    %mul3A_1 = arith.constant 1024 : i32
    %mul3A_2 = arith.muli %add3A, %mul3A_1 : i32
    "tpu.region"() ({
      %run_scoped3A = tpu.sem_alloc : memref<!tpu.dma_semaphore, #tpu.memory_space<semaphore_mem>>
      %dma_start3A = arith.constant 0 : i32
      %dma_start3A_10 = tpu.memref_slice %arg2[%dma_start3A, %mul3A_2] : memref<8x32768xf32, #tpu.memory_space<hbm>> -> memref<8x1024xf32, #tpu.memory_space<hbm>>
      %dma_start3A_11 = arith.constant 0 : i32
      %dma_start3A_12 = tpu.memref_slice %arg2[%dma_start3A_11, %mul3A_2] : memref<8x32768xf32, #tpu.memory_space<hbm>> -> memref<8x1024xf32, #tpu.memory_space<hbm>>
      tpu.enqueue_dma source(%dma_start3A_12 : memref<8x1024xf32, #tpu.memory_space<hbm>>) target(%arg7 : memref<8x1024xf32, #tpu.memory_space<vmem>>) target_semaphore(%run_scoped3A : memref<!tpu.dma_semaphore, #tpu.memory_space<semaphore_mem>>)
      %dma_wait3A = arith.constant 0 : i32
      %dma_wait3A_13 = tpu.memref_slice %arg2[%dma_wait3A, %mul3A_2] : memref<8x32768xf32, #tpu.memory_space<hbm>> -> memref<8x1024xf32, #tpu.memory_space<hbm>>
      %dma_wait3A_14 = arith.constant 0 : i32
      %dma_wait3A_15 = tpu.memref_slice %arg2[%dma_wait3A_14, %mul3A_2] : memref<8x32768xf32, #tpu.memory_space<hbm>> -> memref<8x1024xf32, #tpu.memory_space<hbm>>
      tpu.wait_dma2 semaphore(%run_scoped3A : memref<!tpu.dma_semaphore, #tpu.memory_space<semaphore_mem>>) src(%dma_wait3A_15 : memref<8x1024xf32, #tpu.memory_space<hbm>>) dst(%arg7 : memref<8x1024xf32, #tpu.memory_space<vmem>>)
      tpu.yield
    }) : () -> ()
    %broadcast_in_dim3A = arith.constant 0xFF800000 : f32
    %broadcast_in_dim3A_3 = vector.broadcast %broadcast_in_dim3A : f32 to vector<16xf32>
    %broadcast_in_dim3A_4 = arith.constant 1 : i32
    %broadcast_in_dim3A_5 = vector.broadcast %broadcast_in_dim3A_4 : i32 to vector<16xi32>
    %broadcast_in_dim3A_6 = arith.constant 0 : i32
    %broadcast_in_dim3A_7 = vector.broadcast %broadcast_in_dim3A_6 : i32 to vector<16xi32>
    %parallel_loop3A = arith.constant 0 : i32
    %parallel_loop3A_8 = arith.constant 64 : i32
    %parallel_loop3A_9 = arith.constant 1 : i32
    scf.for %parallel_loop3A_10 = %parallel_loop3A to %parallel_loop3A_8 step %parallel_loop3A_9  : i32 {
      %parallel_loop3A_11 = arith.constant 16 : i32
      %parallel_loop3A_12 = arith.muli %parallel_loop3A_10, %parallel_loop3A_11 : i32
      %parallel_loop3A_13 = arith.constant 0 : i32
      %parallel_loop3A_14 = arith.index_cast %parallel_loop3A_13 : i32 to index
      %parallel_loop3A_15 = arith.index_cast %parallel_loop3A_12 : i32 to index
      %parallel_loop3A_16 = tpu.vector_load %arg7[%parallel_loop3A_14, %parallel_loop3A_15] {strides = array<i32>} : memref<8x1024xf32, #tpu.memory_space<vmem>>, vector<1x16xf32>,
      %parallel_loop3A_17 = vector.shape_cast %parallel_loop3A_16 : vector<1x16xf32> to vector<16xf32>
      %parallel_loop3A_18 = arith.constant 1 : i32
      %parallel_loop3A_19 = arith.index_cast %parallel_loop3A_18 : i32 to index
      %parallel_loop3A_20 = arith.index_cast %parallel_loop3A_12 : i32 to index
      %parallel_loop3A_21 = tpu.vector_load %arg7[%parallel_loop3A_19, %parallel_loop3A_20] {strides = array<i32>} : memref<8x1024xf32, #tpu.memory_space<vmem>>, vector<1x16xf32>,
      %parallel_loop3A_22 = vector.shape_cast %parallel_loop3A_21 : vector<1x16xf32> to vector<16xf32>
      %parallel_loop3A_23 = arith.constant 2 : i32
      %parallel_loop3A_24 = arith.index_cast %parallel_loop3A_23 : i32 to index
      %parallel_loop3A_25 = arith.index_cast %parallel_loop3A_12 : i32 to index
      %parallel_loop3A_26 = tpu.vector_load %arg7[%parallel_loop3A_24, %parallel_loop3A_25] {strides = array<i32>} : memref<8x1024xf32, #tpu.memory_space<vmem>>, vector<1x16xf32>,
      %parallel_loop3A_27 = vector.shape_cast %parallel_loop3A_26 : vector<1x16xf32> to vector<16xf32>
      %parallel_loop3A_28 = arith.constant 3 : i32
      %parallel_loop3A_29 = arith.index_cast %parallel_loop3A_28 : i32 to index
      %parallel_loop3A_30 = arith.index_cast %parallel_loop3A_12 : i32 to index
      %parallel_loop3A_31 = tpu.vector_load %arg7[%parallel_loop3A_29, %parallel_loop3A_30] {strides = array<i32>} : memref<8x1024xf32, #tpu.memory_space<vmem>>, vector<1x16xf32>,
      %parallel_loop3A_32 = vector.shape_cast %parallel_loop3A_31 : vector<1x16xf32> to vector<16xf32>
      %parallel_loop3A_33 = arith.constant 4 : i32
      %parallel_loop3A_34 = arith.index_cast %parallel_loop3A_33 : i32 to index
      %parallel_loop3A_35 = arith.index_cast %parallel_loop3A_12 : i32 to index
      %parallel_loop3A_36 = tpu.vector_load %arg7[%parallel_loop3A_34, %parallel_loop3A_35] {strides = array<i32>} : memref<8x1024xf32, #tpu.memory_space<vmem>>, vector<1x16xf32>,
      %parallel_loop3A_37 = vector.shape_cast %parallel_loop3A_36 : vector<1x16xf32> to vector<16xf32>
      %parallel_loop3A_38 = arith.constant 5 : i32
      %parallel_loop3A_39 = arith.index_cast %parallel_loop3A_38 : i32 to index
      %parallel_loop3A_40 = arith.index_cast %parallel_loop3A_12 : i32 to index
      %parallel_loop3A_41 = tpu.vector_load %arg7[%parallel_loop3A_39, %parallel_loop3A_40] {strides = array<i32>} : memref<8x1024xf32, #tpu.memory_space<vmem>>, vector<1x16xf32>,
      %parallel_loop3A_42 = vector.shape_cast %parallel_loop3A_41 : vector<1x16xf32> to vector<16xf32>
      %parallel_loop3A_43 = arith.constant 6 : i32
      %parallel_loop3A_44 = arith.index_cast %parallel_loop3A_43 : i32 to index
      %parallel_loop3A_45 = arith.index_cast %parallel_loop3A_12 : i32 to index
      %parallel_loop3A_46 = tpu.vector_load %arg7[%parallel_loop3A_44, %parallel_loop3A_45] {strides = array<i32>} : memref<8x1024xf32, #tpu.memory_space<vmem>>, vector<1x16xf32>,
      %parallel_loop3A_47 = vector.shape_cast %parallel_loop3A_46 : vector<1x16xf32> to vector<16xf32>
      %parallel_loop3A_48 = arith.constant 7 : i32
      %parallel_loop3A_49 = arith.index_cast %parallel_loop3A_48 : i32 to index
      %parallel_loop3A_50 = arith.index_cast %parallel_loop3A_12 : i32 to index
      %parallel_loop3A_51 = tpu.vector_load %arg7[%parallel_loop3A_49, %parallel_loop3A_50] {strides = array<i32>} : memref<8x1024xf32, #tpu.memory_space<vmem>>, vector<1x16xf32>,
      %parallel_loop3A_52 = vector.shape_cast %parallel_loop3A_51 : vector<1x16xf32> to vector<16xf32>
      %parallel_loop3A_53 = arith.maximumf %parallel_loop3A_17, %parallel_loop3A_22 : vector<16xf32>
      %parallel_loop3A_54 = arith.maximumf %parallel_loop3A_27, %parallel_loop3A_32 : vector<16xf32>
      %parallel_loop3A_55 = arith.maximumf %parallel_loop3A_37, %parallel_loop3A_42 : vector<16xf32>
      %parallel_loop3A_56 = arith.maximumf %parallel_loop3A_47, %parallel_loop3A_52 : vector<16xf32>
      %parallel_loop3A_57 = arith.cmpf oge, %parallel_loop3A_53, %parallel_loop3A_54 : vector<16xf32>
      %parallel_loop3A_58 = arith.select %parallel_loop3A_57, %broadcast_in_dim3A_5, %broadcast_in_dim3A_7 : vector<16xi1>, vector<16xi32>
      %parallel_loop3A_59 = arith.addi %broadcast_in_dim3A_7, %parallel_loop3A_58 : vector<16xi32>
      %parallel_loop3A_60 = arith.select %parallel_loop3A_57, %broadcast_in_dim3A_7, %broadcast_in_dim3A_5 : vector<16xi1>, vector<16xi32>
      %parallel_loop3A_61 = arith.addi %broadcast_in_dim3A_7, %parallel_loop3A_60 : vector<16xi32>
      %parallel_loop3A_62 = arith.cmpf oge, %parallel_loop3A_53, %parallel_loop3A_55 : vector<16xf32>
      %parallel_loop3A_63 = arith.select %parallel_loop3A_62, %broadcast_in_dim3A_5, %broadcast_in_dim3A_7 : vector<16xi1>, vector<16xi32>
      %parallel_loop3A_64 = arith.addi %broadcast_in_dim3A_7, %parallel_loop3A_63 : vector<16xi32>
      %parallel_loop3A_65 = arith.select %parallel_loop3A_62, %broadcast_in_dim3A_7, %broadcast_in_dim3A_5 : vector<16xi1>, vector<16xi32>
      %parallel_loop3A_66 = arith.addi %parallel_loop3A_61, %parallel_loop3A_65 : vector<16xi32>
      %parallel_loop3A_67 = arith.cmpf oge, %parallel_loop3A_53, %parallel_loop3A_56 : vector<16xf32>
      %parallel_loop3A_68 = arith.select %parallel_loop3A_67, %broadcast_in_dim3A_5, %broadcast_in_dim3A_7 : vector<16xi1>, vector<16xi32>
      %parallel_loop3A_69 = arith.addi %broadcast_in_dim3A_7, %parallel_loop3A_68 : vector<16xi32>
      %parallel_loop3A_70 = arith.select %parallel_loop3A_67, %broadcast_in_dim3A_7, %broadcast_in_dim3A_5 : vector<16xi1>, vector<16xi32>
      %parallel_loop3A_71 = arith.addi %parallel_loop3A_66, %parallel_loop3A_70 : vector<16xi32>
      %parallel_loop3A_72 = arith.cmpf oge, %parallel_loop3A_54, %parallel_loop3A_55 : vector<16xf32>
      %parallel_loop3A_73 = arith.select %parallel_loop3A_72, %broadcast_in_dim3A_5, %broadcast_in_dim3A_7 : vector<16xi1>, vector<16xi32>
      %parallel_loop3A_74 = arith.addi %parallel_loop3A_64, %parallel_loop3A_73 : vector<16xi32>
      %parallel_loop3A_75 = arith.select %parallel_loop3A_72, %broadcast_in_dim3A_7, %broadcast_in_dim3A_5 : vector<16xi1>, vector<16xi32>
      %parallel_loop3A_76 = arith.addi %parallel_loop3A_59, %parallel_loop3A_75 : vector<16xi32>
      %parallel_loop3A_77 = arith.cmpf oge, %parallel_loop3A_54, %parallel_loop3A_56 : vector<16xf32>
      %parallel_loop3A_78 = arith.select %parallel_loop3A_77, %broadcast_in_dim3A_5, %broadcast_in_dim3A_7 : vector<16xi1>, vector<16xi32>
      %parallel_loop3A_79 = arith.addi %parallel_loop3A_69, %parallel_loop3A_78 : vector<16xi32>
      %parallel_loop3A_80 = arith.select %parallel_loop3A_77, %broadcast_in_dim3A_7, %broadcast_in_dim3A_5 : vector<16xi1>, vector<16xi32>
      %parallel_loop3A_81 = arith.addi %parallel_loop3A_76, %parallel_loop3A_80 : vector<16xi32>
      %parallel_loop3A_82 = arith.cmpf oge, %parallel_loop3A_55, %parallel_loop3A_56 : vector<16xf32>
      %parallel_loop3A_83 = arith.select %parallel_loop3A_82, %broadcast_in_dim3A_5, %broadcast_in_dim3A_7 : vector<16xi1>, vector<16xi32>
      %parallel_loop3A_84 = arith.addi %parallel_loop3A_79, %parallel_loop3A_83 : vector<16xi32>
      %parallel_loop3A_85 = arith.select %parallel_loop3A_82, %broadcast_in_dim3A_7, %broadcast_in_dim3A_5 : vector<16xi1>, vector<16xi32>
      %parallel_loop3A_86 = arith.addi %parallel_loop3A_74, %parallel_loop3A_85 : vector<16xi32>
      %parallel_loop3A_87 = arith.constant 2 : i32
      %parallel_loop3A_88 = vector.broadcast %parallel_loop3A_87 : i32 to vector<16xi32>
      %parallel_loop3A_89 = arith.cmpi slt, %parallel_loop3A_71, %parallel_loop3A_88 : vector<16xi32>
      %parallel_loop3A_90 = arith.constant 2 : i32
      %parallel_loop3A_91 = vector.broadcast %parallel_loop3A_90 : i32 to vector<16xi32>
      %parallel_loop3A_92 = arith.cmpi slt, %parallel_loop3A_81, %parallel_loop3A_91 : vector<16xi32>
      %parallel_loop3A_93 = arith.constant 2 : i32
      %parallel_loop3A_94 = vector.broadcast %parallel_loop3A_93 : i32 to vector<16xi32>
      %parallel_loop3A_95 = arith.cmpi slt, %parallel_loop3A_86, %parallel_loop3A_94 : vector<16xi32>
      %parallel_loop3A_96 = arith.constant 2 : i32
      %parallel_loop3A_97 = vector.broadcast %parallel_loop3A_96 : i32 to vector<16xi32>
      %parallel_loop3A_98 = arith.cmpi slt, %parallel_loop3A_84, %parallel_loop3A_97 : vector<16xi32>
      %parallel_loop3A_99 = arith.select %parallel_loop3A_89, %parallel_loop3A_17, %broadcast_in_dim3A_3 : vector<16xi1>, vector<16xf32>
      %parallel_loop3A_100 = arith.select %parallel_loop3A_89, %parallel_loop3A_22, %broadcast_in_dim3A_3 : vector<16xi1>, vector<16xf32>
      %parallel_loop3A_101 = arith.select %parallel_loop3A_92, %parallel_loop3A_27, %broadcast_in_dim3A_3 : vector<16xi1>, vector<16xf32>
      %parallel_loop3A_102 = arith.select %parallel_loop3A_92, %parallel_loop3A_32, %broadcast_in_dim3A_3 : vector<16xi1>, vector<16xf32>
      %parallel_loop3A_103 = arith.select %parallel_loop3A_95, %parallel_loop3A_37, %broadcast_in_dim3A_3 : vector<16xi1>, vector<16xf32>
      %parallel_loop3A_104 = arith.select %parallel_loop3A_95, %parallel_loop3A_42, %broadcast_in_dim3A_3 : vector<16xi1>, vector<16xf32>
      %parallel_loop3A_105 = arith.select %parallel_loop3A_98, %parallel_loop3A_47, %broadcast_in_dim3A_3 : vector<16xi1>, vector<16xf32>
      %parallel_loop3A_106 = arith.select %parallel_loop3A_98, %parallel_loop3A_52, %broadcast_in_dim3A_3 : vector<16xi1>, vector<16xf32>
      %parallel_loop3A_107 = arith.cmpf ogt, %parallel_loop3A_100, %parallel_loop3A_99 : vector<16xf32>
      %parallel_loop3A_108 = arith.select %parallel_loop3A_107, %parallel_loop3A_100, %parallel_loop3A_99 : vector<16xi1>, vector<16xf32>
      %parallel_loop3A_109 = arith.constant 1 : i32
      %parallel_loop3A_110 = vector.broadcast %parallel_loop3A_109 : i32 to vector<16xi32>
      %parallel_loop3A_111 = arith.select %parallel_loop3A_107, %parallel_loop3A_110, %broadcast_in_dim3A_7 : vector<16xi1>, vector<16xi32>
      %parallel_loop3A_112 = arith.cmpf ogt, %parallel_loop3A_101, %parallel_loop3A_108 : vector<16xf32>
      %parallel_loop3A_113 = arith.select %parallel_loop3A_112, %parallel_loop3A_101, %parallel_loop3A_108 : vector<16xi1>, vector<16xf32>
      %parallel_loop3A_114 = arith.constant 2 : i32
      %parallel_loop3A_115 = vector.broadcast %parallel_loop3A_114 : i32 to vector<16xi32>
      %parallel_loop3A_116 = arith.select %parallel_loop3A_112, %parallel_loop3A_115, %parallel_loop3A_111 : vector<16xi1>, vector<16xi32>
      %parallel_loop3A_117 = arith.cmpf ogt, %parallel_loop3A_102, %parallel_loop3A_113 : vector<16xf32>
      %parallel_loop3A_118 = arith.select %parallel_loop3A_117, %parallel_loop3A_102, %parallel_loop3A_113 : vector<16xi1>, vector<16xf32>
      %parallel_loop3A_119 = arith.constant 3 : i32
      %parallel_loop3A_120 = vector.broadcast %parallel_loop3A_119 : i32 to vector<16xi32>
      %parallel_loop3A_121 = arith.select %parallel_loop3A_117, %parallel_loop3A_120, %parallel_loop3A_116 : vector<16xi1>, vector<16xi32>
      %parallel_loop3A_122 = arith.cmpf ogt, %parallel_loop3A_103, %parallel_loop3A_118 : vector<16xf32>
      %parallel_loop3A_123 = arith.select %parallel_loop3A_122, %parallel_loop3A_103, %parallel_loop3A_118 : vector<16xi1>, vector<16xf32>
      %parallel_loop3A_124 = arith.constant 4 : i32
      %parallel_loop3A_125 = vector.broadcast %parallel_loop3A_124 : i32 to vector<16xi32>
      %parallel_loop3A_126 = arith.select %parallel_loop3A_122, %parallel_loop3A_125, %parallel_loop3A_121 : vector<16xi1>, vector<16xi32>
      %parallel_loop3A_127 = arith.cmpf ogt, %parallel_loop3A_104, %parallel_loop3A_123 : vector<16xf32>
      %parallel_loop3A_128 = arith.select %parallel_loop3A_127, %parallel_loop3A_104, %parallel_loop3A_123 : vector<16xi1>, vector<16xf32>
      %parallel_loop3A_129 = arith.constant 5 : i32
      %parallel_loop3A_130 = vector.broadcast %parallel_loop3A_129 : i32 to vector<16xi32>
      %parallel_loop3A_131 = arith.select %parallel_loop3A_127, %parallel_loop3A_130, %parallel_loop3A_126 : vector<16xi1>, vector<16xi32>
      %parallel_loop3A_132 = arith.cmpf ogt, %parallel_loop3A_105, %parallel_loop3A_128 : vector<16xf32>
      %parallel_loop3A_133 = arith.select %parallel_loop3A_132, %parallel_loop3A_105, %parallel_loop3A_128 : vector<16xi1>, vector<16xf32>
      %parallel_loop3A_134 = arith.constant 6 : i32
      %parallel_loop3A_135 = vector.broadcast %parallel_loop3A_134 : i32 to vector<16xi32>
      %parallel_loop3A_136 = arith.select %parallel_loop3A_132, %parallel_loop3A_135, %parallel_loop3A_131 : vector<16xi1>, vector<16xi32>
      %parallel_loop3A_137 = arith.cmpf ogt, %parallel_loop3A_106, %parallel_loop3A_133 : vector<16xf32>
      %parallel_loop3A_138 = arith.select %parallel_loop3A_137, %parallel_loop3A_106, %parallel_loop3A_133 : vector<16xi1>, vector<16xf32>
      %parallel_loop3A_139 = arith.constant 7 : i32
      %parallel_loop3A_140 = vector.broadcast %parallel_loop3A_139 : i32 to vector<16xi32>
      %parallel_loop3A_141 = arith.select %parallel_loop3A_137, %parallel_loop3A_140, %parallel_loop3A_136 : vector<16xi1>, vector<16xi32>
      %parallel_loop3A_142 = arith.constant 0 : i32
      %parallel_loop3A_143 = vector.broadcast %parallel_loop3A_142 : i32 to vector<16xi32>
      %parallel_loop3A_144 = arith.cmpi eq, %parallel_loop3A_141, %parallel_loop3A_143 : vector<16xi32>
      %parallel_loop3A_145 = arith.select %parallel_loop3A_144, %broadcast_in_dim3A_3, %parallel_loop3A_99 : vector<16xi1>, vector<16xf32>
      %parallel_loop3A_146 = arith.constant 1 : i32
      %parallel_loop3A_147 = vector.broadcast %parallel_loop3A_146 : i32 to vector<16xi32>
      %parallel_loop3A_148 = arith.cmpi eq, %parallel_loop3A_141, %parallel_loop3A_147 : vector<16xi32>
      %parallel_loop3A_149 = arith.select %parallel_loop3A_148, %broadcast_in_dim3A_3, %parallel_loop3A_100 : vector<16xi1>, vector<16xf32>
      %parallel_loop3A_150 = arith.constant 2 : i32
      %parallel_loop3A_151 = vector.broadcast %parallel_loop3A_150 : i32 to vector<16xi32>
      %parallel_loop3A_152 = arith.cmpi eq, %parallel_loop3A_141, %parallel_loop3A_151 : vector<16xi32>
      %parallel_loop3A_153 = arith.select %parallel_loop3A_152, %broadcast_in_dim3A_3, %parallel_loop3A_101 : vector<16xi1>, vector<16xf32>
      %parallel_loop3A_154 = arith.constant 3 : i32
      %parallel_loop3A_155 = vector.broadcast %parallel_loop3A_154 : i32 to vector<16xi32>
      %parallel_loop3A_156 = arith.cmpi eq, %parallel_loop3A_141, %parallel_loop3A_155 : vector<16xi32>
      %parallel_loop3A_157 = arith.select %parallel_loop3A_156, %broadcast_in_dim3A_3, %parallel_loop3A_102 : vector<16xi1>, vector<16xf32>
      %parallel_loop3A_158 = arith.constant 4 : i32
      %parallel_loop3A_159 = vector.broadcast %parallel_loop3A_158 : i32 to vector<16xi32>
      %parallel_loop3A_160 = arith.cmpi eq, %parallel_loop3A_141, %parallel_loop3A_159 : vector<16xi32>
      %parallel_loop3A_161 = arith.select %parallel_loop3A_160, %broadcast_in_dim3A_3, %parallel_loop3A_103 : vector<16xi1>, vector<16xf32>
      %parallel_loop3A_162 = arith.constant 5 : i32
      %parallel_loop3A_163 = vector.broadcast %parallel_loop3A_162 : i32 to vector<16xi32>
      %parallel_loop3A_164 = arith.cmpi eq, %parallel_loop3A_141, %parallel_loop3A_163 : vector<16xi32>
      %parallel_loop3A_165 = arith.select %parallel_loop3A_164, %broadcast_in_dim3A_3, %parallel_loop3A_104 : vector<16xi1>, vector<16xf32>
      %parallel_loop3A_166 = arith.constant 6 : i32
      %parallel_loop3A_167 = vector.broadcast %parallel_loop3A_166 : i32 to vector<16xi32>
      %parallel_loop3A_168 = arith.cmpi eq, %parallel_loop3A_141, %parallel_loop3A_167 : vector<16xi32>
      %parallel_loop3A_169 = arith.select %parallel_loop3A_168, %broadcast_in_dim3A_3, %parallel_loop3A_105 : vector<16xi1>, vector<16xf32>
      %parallel_loop3A_170 = arith.constant 7 : i32
      %parallel_loop3A_171 = vector.broadcast %parallel_loop3A_170 : i32 to vector<16xi32>
      %parallel_loop3A_172 = arith.cmpi eq, %parallel_loop3A_141, %parallel_loop3A_171 : vector<16xi32>
      %parallel_loop3A_173 = arith.select %parallel_loop3A_172, %broadcast_in_dim3A_3, %parallel_loop3A_106 : vector<16xi1>, vector<16xf32>
      %parallel_loop3A_174 = arith.cmpf ogt, %parallel_loop3A_149, %parallel_loop3A_145 : vector<16xf32>
      %parallel_loop3A_175 = arith.select %parallel_loop3A_174, %parallel_loop3A_149, %parallel_loop3A_145 : vector<16xi1>, vector<16xf32>
      %parallel_loop3A_176 = arith.constant 1 : i32
      %parallel_loop3A_177 = vector.broadcast %parallel_loop3A_176 : i32 to vector<16xi32>
      %parallel_loop3A_178 = arith.select %parallel_loop3A_174, %parallel_loop3A_177, %broadcast_in_dim3A_7 : vector<16xi1>, vector<16xi32>
      %parallel_loop3A_179 = arith.cmpf ogt, %parallel_loop3A_153, %parallel_loop3A_175 : vector<16xf32>
      %parallel_loop3A_180 = arith.select %parallel_loop3A_179, %parallel_loop3A_153, %parallel_loop3A_175 : vector<16xi1>, vector<16xf32>
      %parallel_loop3A_181 = arith.constant 2 : i32
      %parallel_loop3A_182 = vector.broadcast %parallel_loop3A_181 : i32 to vector<16xi32>
      %parallel_loop3A_183 = arith.select %parallel_loop3A_179, %parallel_loop3A_182, %parallel_loop3A_178 : vector<16xi1>, vector<16xi32>
      %parallel_loop3A_184 = arith.cmpf ogt, %parallel_loop3A_157, %parallel_loop3A_180 : vector<16xf32>
      %parallel_loop3A_185 = arith.select %parallel_loop3A_184, %parallel_loop3A_157, %parallel_loop3A_180 : vector<16xi1>, vector<16xf32>
      %parallel_loop3A_186 = arith.constant 3 : i32
      %parallel_loop3A_187 = vector.broadcast %parallel_loop3A_186 : i32 to vector<16xi32>
      %parallel_loop3A_188 = arith.select %parallel_loop3A_184, %parallel_loop3A_187, %parallel_loop3A_183 : vector<16xi1>, vector<16xi32>
      %parallel_loop3A_189 = arith.cmpf ogt, %parallel_loop3A_161, %parallel_loop3A_185 : vector<16xf32>
      %parallel_loop3A_190 = arith.select %parallel_loop3A_189, %parallel_loop3A_161, %parallel_loop3A_185 : vector<16xi1>, vector<16xf32>
      %parallel_loop3A_191 = arith.constant 4 : i32
      %parallel_loop3A_192 = vector.broadcast %parallel_loop3A_191 : i32 to vector<16xi32>
      %parallel_loop3A_193 = arith.select %parallel_loop3A_189, %parallel_loop3A_192, %parallel_loop3A_188 : vector<16xi1>, vector<16xi32>
      %parallel_loop3A_194 = arith.cmpf ogt, %parallel_loop3A_165, %parallel_loop3A_190 : vector<16xf32>
      %parallel_loop3A_195 = arith.select %parallel_loop3A_194, %parallel_loop3A_165, %parallel_loop3A_190 : vector<16xi1>, vector<16xf32>
      %parallel_loop3A_196 = arith.constant 5 : i32
      %parallel_loop3A_197 = vector.broadcast %parallel_loop3A_196 : i32 to vector<16xi32>
      %parallel_loop3A_198 = arith.select %parallel_loop3A_194, %parallel_loop3A_197, %parallel_loop3A_193 : vector<16xi1>, vector<16xi32>
      %parallel_loop3A_199 = arith.cmpf ogt, %parallel_loop3A_169, %parallel_loop3A_195 : vector<16xf32>
      %parallel_loop3A_200 = arith.select %parallel_loop3A_199, %parallel_loop3A_169, %parallel_loop3A_195 : vector<16xi1>, vector<16xf32>
      %parallel_loop3A_201 = arith.constant 6 : i32
      %parallel_loop3A_202 = vector.broadcast %parallel_loop3A_201 : i32 to vector<16xi32>
      %parallel_loop3A_203 = arith.select %parallel_loop3A_199, %parallel_loop3A_202, %parallel_loop3A_198 : vector<16xi1>, vector<16xi32>
      %parallel_loop3A_204 = arith.cmpf ogt, %parallel_loop3A_173, %parallel_loop3A_200 : vector<16xf32>
      %parallel_loop3A_205 = arith.select %parallel_loop3A_204, %parallel_loop3A_173, %parallel_loop3A_200 : vector<16xi1>, vector<16xf32>
      %parallel_loop3A_206 = arith.constant 7 : i32
      %parallel_loop3A_207 = vector.broadcast %parallel_loop3A_206 : i32 to vector<16xi32>
      %parallel_loop3A_208 = arith.select %parallel_loop3A_204, %parallel_loop3A_207, %parallel_loop3A_203 : vector<16xi1>, vector<16xi32>
      %parallel_loop3A_209 = arith.addf %parallel_loop3A_138, %parallel_loop3A_205 : vector<16xf32>
      %parallel_loop3A_210 = arith.divf %parallel_loop3A_138, %parallel_loop3A_209 : vector<16xf32>
      %parallel_loop3A_211 = arith.index_cast %parallel_loop3A_12 : i32 to index
      %parallel_loop3A_212 = tpu.vector_load %arg8[%parallel_loop3A_211] {strides = array<i32>} : memref<1024xf32, #tpu.memory_space<vmem>>, vector<16xf32>,
      %parallel_loop3A_213 = vector.shape_cast %parallel_loop3A_212 : vector<16xf32> to vector<16xf32>
      %parallel_loop3A_214 = vector.shape_cast %parallel_loop3A_210 : vector<16xf32> to vector<16xf32>
      tpu.vector_store %arg8[%parallel_loop3A_211], %parallel_loop3A_214 {strides = array<i32>} : memref<1024xf32, #tpu.memory_space<vmem>>, vector<16xf32>,
      %parallel_loop3A_215 = arith.divf %parallel_loop3A_205, %parallel_loop3A_209 : vector<16xf32>
      %parallel_loop3A_216 = arith.index_cast %parallel_loop3A_12 : i32 to index
      %parallel_loop3A_217 = tpu.vector_load %arg9[%parallel_loop3A_216] {strides = array<i32>} : memref<1024xf32, #tpu.memory_space<vmem>>, vector<16xf32>,
      %parallel_loop3A_218 = vector.shape_cast %parallel_loop3A_217 : vector<16xf32> to vector<16xf32>
      %parallel_loop3A_219 = vector.shape_cast %parallel_loop3A_215 : vector<16xf32> to vector<16xf32>
      tpu.vector_store %arg9[%parallel_loop3A_216], %parallel_loop3A_219 {strides = array<i32>} : memref<1024xf32, #tpu.memory_space<vmem>>, vector<16xf32>,
      %parallel_loop3A_220 = arith.index_cast %parallel_loop3A_12 : i32 to index
      %parallel_loop3A_221 = tpu.vector_load %arg10[%parallel_loop3A_220] {strides = array<i32>} : memref<1024xi32, #tpu.memory_space<vmem>>, vector<16xi32>,
      %parallel_loop3A_222 = vector.shape_cast %parallel_loop3A_221 : vector<16xi32> to vector<16xi32>
      %parallel_loop3A_223 = vector.shape_cast %parallel_loop3A_141 : vector<16xi32> to vector<16xi32>
      tpu.vector_store %arg10[%parallel_loop3A_220], %parallel_loop3A_223 {strides = array<i32>} : memref<1024xi32, #tpu.memory_space<vmem>>, vector<16xi32>,
      %parallel_loop3A_224 = arith.index_cast %parallel_loop3A_12 : i32 to index
      %parallel_loop3A_225 = tpu.vector_load %arg11[%parallel_loop3A_224] {strides = array<i32>} : memref<1024xi32, #tpu.memory_space<vmem>>, vector<16xi32>,
      %parallel_loop3A_226 = vector.shape_cast %parallel_loop3A_225 : vector<16xi32> to vector<16xi32>
      %parallel_loop3A_227 = vector.shape_cast %parallel_loop3A_208 : vector<16xi32> to vector<16xi32>
      tpu.vector_store %arg11[%parallel_loop3A_224], %parallel_loop3A_227 {strides = array<i32>} : memref<1024xi32, #tpu.memory_space<vmem>>, vector<16xi32>,
    } {sc.loop_unroll_factor = 4 : i64, sc.parallel_access}
    "tpu.region"() ({
      %run_scoped3A = tpu.sem_alloc : memref<!tpu.dma_semaphore, #tpu.memory_space<semaphore_mem>>
      %dma_start3A = tpu.memref_slice %arg3[%mul3A_2] : memref<32768xf32, #tpu.memory_space<hbm>> -> memref<1024xf32, #tpu.memory_space<hbm>>
      %dma_start3A_10 = tpu.memref_slice %arg3[%mul3A_2] : memref<32768xf32, #tpu.memory_space<hbm>> -> memref<1024xf32, #tpu.memory_space<hbm>>
      tpu.enqueue_dma source(%arg8 : memref<1024xf32, #tpu.memory_space<vmem>>) target(%dma_start3A_10 : memref<1024xf32, #tpu.memory_space<hbm>>) target_semaphore(%run_scoped3A : memref<!tpu.dma_semaphore, #tpu.memory_space<semaphore_mem>>)
      %dma_wait3A = tpu.memref_slice %arg3[%mul3A_2] : memref<32768xf32, #tpu.memory_space<hbm>> -> memref<1024xf32, #tpu.memory_space<hbm>>
      %dma_wait3A_11 = tpu.memref_slice %arg3[%mul3A_2] : memref<32768xf32, #tpu.memory_space<hbm>> -> memref<1024xf32, #tpu.memory_space<hbm>>
      tpu.wait_dma2 semaphore(%run_scoped3A : memref<!tpu.dma_semaphore, #tpu.memory_space<semaphore_mem>>) src(%arg8 : memref<1024xf32, #tpu.memory_space<vmem>>) dst(%dma_wait3A_11 : memref<1024xf32, #tpu.memory_space<hbm>>)
      tpu.yield
    }) : () -> ()
    "tpu.region"() ({
      %run_scoped3A = tpu.sem_alloc : memref<!tpu.dma_semaphore, #tpu.memory_space<semaphore_mem>>
      %dma_start3A = tpu.memref_slice %arg4[%mul3A_2] : memref<32768xf32, #tpu.memory_space<hbm>> -> memref<1024xf32, #tpu.memory_space<hbm>>
      %dma_start3A_10 = tpu.memref_slice %arg4[%mul3A_2] : memref<32768xf32, #tpu.memory_space<hbm>> -> memref<1024xf32, #tpu.memory_space<hbm>>
      tpu.enqueue_dma source(%arg9 : memref<1024xf32, #tpu.memory_space<vmem>>) target(%dma_start3A_10 : memref<1024xf32, #tpu.memory_space<hbm>>) target_semaphore(%run_scoped3A : memref<!tpu.dma_semaphore, #tpu.memory_space<semaphore_mem>>)
      %dma_wait3A = tpu.memref_slice %arg4[%mul3A_2] : memref<32768xf32, #tpu.memory_space<hbm>> -> memref<1024xf32, #tpu.memory_space<hbm>>
      %dma_wait3A_11 = tpu.memref_slice %arg4[%mul3A_2] : memref<32768xf32, #tpu.memory_space<hbm>> -> memref<1024xf32, #tpu.memory_space<hbm>>
      tpu.wait_dma2 semaphore(%run_scoped3A : memref<!tpu.dma_semaphore, #tpu.memory_space<semaphore_mem>>) src(%arg9 : memref<1024xf32, #tpu.memory_space<vmem>>) dst(%dma_wait3A_11 : memref<1024xf32, #tpu.memory_space<hbm>>)
      tpu.yield
    }) : () -> ()
    "tpu.region"() ({
      %run_scoped3A = tpu.sem_alloc : memref<!tpu.dma_semaphore, #tpu.memory_space<semaphore_mem>>
      %dma_start3A = tpu.memref_slice %arg5[%mul3A_2] : memref<32768xi32, #tpu.memory_space<hbm>> -> memref<1024xi32, #tpu.memory_space<hbm>>
      %dma_start3A_10 = tpu.memref_slice %arg5[%mul3A_2] : memref<32768xi32, #tpu.memory_space<hbm>> -> memref<1024xi32, #tpu.memory_space<hbm>>
      tpu.enqueue_dma source(%arg10 : memref<1024xi32, #tpu.memory_space<vmem>>) target(%dma_start3A_10 : memref<1024xi32, #tpu.memory_space<hbm>>) target_semaphore(%run_scoped3A : memref<!tpu.dma_semaphore, #tpu.memory_space<semaphore_mem>>)
      %dma_wait3A = tpu.memref_slice %arg5[%mul3A_2] : memref<32768xi32, #tpu.memory_space<hbm>> -> memref<1024xi32, #tpu.memory_space<hbm>>
      %dma_wait3A_11 = tpu.memref_slice %arg5[%mul3A_2] : memref<32768xi32, #tpu.memory_space<hbm>> -> memref<1024xi32, #tpu.memory_space<hbm>>
      tpu.wait_dma2 semaphore(%run_scoped3A : memref<!tpu.dma_semaphore, #tpu.memory_space<semaphore_mem>>) src(%arg10 : memref<1024xi32, #tpu.memory_space<vmem>>) dst(%dma_wait3A_11 : memref<1024xi32, #tpu.memory_space<hbm>>)
      tpu.yield
    }) : () -> ()
    "tpu.region"() ({
      %run_scoped3A = tpu.sem_alloc : memref<!tpu.dma_semaphore, #tpu.memory_space<semaphore_mem>>
      %dma_start3A = tpu.memref_slice %arg6[%mul3A_2] : memref<32768xi32, #tpu.memory_space<hbm>> -> memref<1024xi32, #tpu.memory_space<hbm>>
      %dma_start3A_10 = tpu.memref_slice %arg6[%mul3A_2] : memref<32768xi32, #tpu.memory_space<hbm>> -> memref<1024xi32, #tpu.memory_space<hbm>>
      tpu.enqueue_dma source(%arg11 : memref<1024xi32, #tpu.memory_space<vmem>>) target(%dma_start3A_10 : memref<1024xi32, #tpu.memory_space<hbm>>) target_semaphore(%run_scoped3A : memref<!tpu.dma_semaphore, #tpu.memory_space<semaphore_mem>>)
      %dma_wait3A = tpu.memref_slice %arg6[%mul3A_2] : memref<32768xi32, #tpu.memory_space<hbm>> -> memref<1024xi32, #tpu.memory_space<hbm>>
      %dma_wait3A_11 = tpu.memref_slice %arg6[%mul3A_2] : memref<32768xi32, #tpu.memory_space<hbm>> -> memref<1024xi32, #tpu.memory_space<hbm>>
      tpu.wait_dma2 semaphore(%run_scoped3A : memref<!tpu.dma_semaphore, #tpu.memory_space<semaphore_mem>>) src(%arg11 : memref<1024xi32, #tpu.memory_space<vmem>>) dst(%dma_wait3A_11 : memref<1024xi32, #tpu.memory_space<hbm>>)
      tpu.yield
    }) : () -> ()
    return
  }
}

module attributes {stable_mosaic.version = 14 : i64} {
  func.func @_tc_scores_body(%arg0: i32, %arg1: memref<2048x1024xf32, #tpu.memory_space<vmem>>, %arg2: memref<8x1024xf32, #tpu.memory_space<vmem>>, %arg3: memref<8x2048xf32, #tpu.memory_space<vmem>>) attributes {dimension_semantics = [#tpu.dimension_semantics<arbitrary>], iteration_bounds = array<i64: 16>, scalar_prefetch = 0 : i64, scratch_operands = 0 : i64, tpu.core_type = #tpu.core_type<tc>, window_params = [{transform_indices = @transform_0, window_bounds = array<i64: 2048, 1024>}, {pipeline_mode = #tpu.pipeline_mode<synchronous>, transform_indices = @transform_1, window_bounds = array<i64: 8, 1024>}, {transform_indices = @transform_2, window_bounds = array<i64: 8, 2048>}]} {
    %get3A = arith.constant 0 : index
    %get3A_0 = arith.constant 0 : index
    %get3A_1 = vector.load %arg1[%get3A, %get3A_0] : memref<2048x1024xf32, #tpu.memory_space<vmem>>, vector<2048x1024xf32>
    %get3A_2 = arith.constant 0 : index
    %get3A_3 = arith.constant 0 : index
    %get3A_4 = vector.load %arg2[%get3A_2, %get3A_3] : memref<8x1024xf32, #tpu.memory_space<vmem>>, vector<8x1024xf32>
    %dot_general3A = arith.constant dense<0.000000e+00> : vector<2048x8xf32>
    %dot_general3A_5 = tpu.matmul %get3A_1, %get3A_4, %dot_general3A {dimension_numbers = #tpu.dot_dimension_numbers<[1], [1], [0], [0], [0, 0, 1, 0], [], []>, transpose_lhs_hint = false} : vector<2048x1024xf32>, vector<8x1024xf32>, vector<2048x8xf32> -> vector<2048x8xf32>
    %logistic3A = arith.negf %dot_general3A_5 : vector<2048x8xf32>
    %logistic3A_6 = math.exp %logistic3A : vector<2048x8xf32>
    %logistic3A_7 = arith.constant 1.000000e+00 : f32
    %logistic3A_8 = vector.broadcast %logistic3A_7 : f32 to vector<2048x8xf32>
    %logistic3A_9 = arith.addf %logistic3A_8, %logistic3A_6 : vector<2048x8xf32>
    %logistic3A_10 = arith.divf %logistic3A_8, %logistic3A_9 : vector<2048x8xf32>
    %transpose3A = tpu.transpose %logistic3A_10, [1, 0] : vector<2048x8xf32> -> vector<8x2048xf32>
    %swap3A = arith.constant 0 : index
    %swap3A_11 = arith.constant 0 : index
    %swap3A_12 = vector.load %arg3[%swap3A, %swap3A_11] : memref<8x2048xf32, #tpu.memory_space<vmem>>, vector<8x2048xf32>
    tpu.vector_store %arg3[%swap3A, %swap3A_11], %transpose3A {strides = array<i32>} : memref<8x2048xf32, #tpu.memory_space<vmem>>, vector<8x2048xf32>,
    return
  }
  func.func @transform_0(%arg0: i32) -> (i32, i32) {
    %c0_i32 = arith.constant 0 : i32
    %c0_i32_0 = arith.constant 0 : i32
    return %arg0, %c0_i32 : i32, i32
  }
  func.func @transform_1(%arg0: i32) -> (i32, i32) {
    %c0_i32 = arith.constant 0 : i32
    %c0_i32_0 = arith.constant 0 : i32
    %c0_i32_1 = arith.constant 0 : i32
    return %c0_i32, %c0_i32_0 : i32, i32
  }
  func.func @transform_2(%arg0: i32) -> (i32, i32) {
    %c0_i32 = arith.constant 0 : i32
    %c0_i32_0 = arith.constant 0 : i32
    return %c0_i32, %arg0 : i32, i32
  }
}

</mosaic_0001>

<sc_bundles>
// kernel: kernel.4.cloned.1.call-start
scs
__scs_entry_jumppad:
0x0: {  	(pc) =	sbr.rel $0x88, $3  }
0x1: {  	(tag) =	ssettag $0x0;
	lr =	simm.s32 $0x1  }
0x2: {  	[smem:$0x3F9F] =	sst lr;
	_ =	strace $0xD0000000  }
0x3: {  	_ = 	snop  }
0x4: {  	_ = 	snop  }
0x5: {  	_ = 	snop  }
0x6: {  	_ = 	snop  }
0x7: {  	_ = 	snop  }
__scs_overlays_trampoline_lowered:
0x8: {  	[smem:$0x3FAE] =	sst s0  }
0x9: {  	[smem:$0x3FAF] =	sst s1  }
0xa: {  	[smem:$0x3FB0] =	sst s2  }
0xb: {  	[smem:$0x3FB1] =	sst s3  }
0xc: {  	[smem:$0x3FB2] =	sst s4  }
0xd: {  	[smem:$0x3FB3] =	sst s5  }
0xe: {  	[smem:$0x3FB4] =	sst s6  }
0xf: {  	[smem:$0x3FB5] =	sst s7  }
0x10: {  	[smem:$0x3FB6] =	sst s8  }
0x11: {  	[smem:$0x3FB7] =	sst s9;
	s0 =	simm.s32 @!p0 $0x0  }
0x12: {  	s1 =	sld [smem:$0x3F9D];
	s0 =	simm.s32 @p0 $0x1  }
0x13: {  	[smem:$0x3FB8] =	sst s0;
	s0 =	simm.s32 @!p1 $0x0  }
0x14: {  	s2 =	sld [smem:$0x3F9C];
	s0 =	simm.s32 @p1 $0x1  }
0x15: {  	[smem:$0x3FB9] =	sst s0;
	s0 =	simm.s32 @!p2 $0x0  }
0x16: {  	s3 =	sld [smem:$0x3FDB];
	s0 =	simm.s32 @p2 $0x1  }
0x17: {  	s4 =	simm.s32 $0x1BF5;
	[smem:$0x3FBB] =	sst s0  }
0x18: {  	s0 =	sld [smem:$0x3F9E];
	_ =	swait.ge [sflag:s4], $0x0  }
0x19: {  	s7 =	sld [smem:$0x3F9F]  }
0x1a: {  	s8 =	sadd.s32 $0xFFFFE003, lr  }
0x1b: {  	s9 =	sadd.s32 $0xFFFFFEF7, lr;
	s5 =	simm.s32 $0xFFFFFFFF;
	p2 =	slt.u32 s8, $0xFFFFF086  }
0x1c: {  	p1 =	slt.u32 s9, $0xF7A;
	s5 =	simm.s32 @!p2 $0x0  }
0x1d: {  	s5 =	simm.s32 @p1 $0x1;
	p0 =	seq.s32 s7, s2  }
0x1e: {  	s7 =	smul.u32 @!p0 $0xF7A, s2;
	p2 =	seq.s32 @!p0 s5, $0x0  }
0x1f: {  	s9 =	smul.u32 $0xF7A, s1;
	s8 =	simm.s32 @!p0 $0x1BF5;
	p2 =	por !p2, p0  }
0x20: {  	[sflag:s8] =	ssyncset.s32 @!p0 $0xFFFFF086;
	s6 =	sadd.s32 @!p0 s3, s7;
	s7 =	simm.s32 @!p0 $0x108  }
0x21: {  	s3 =	sadd.s32 s3, s9;
	s6 =	sadd.s32 @!p0 $0x88, s6;
	s7 =	simm.s32 @p2 $0x1082  }
0x22: {  	[simem:s7], [sflag:s8] =	dma.local @!p0 [hbm:s6], $0xF7A  }
0x23: {  	s9 =	sor.u32 $0xD0000000, s2;
	s6 =	simm.s32 $0x108;
	_ =	swait.ge @!p0 [sflag:s8], $0x0  }
0x24: {  	s3 =	sadd.s32 $0x88, s3;
	s6 =	simm.s32 @!p1 $0x1082;
	[sflag:s4] =	ssyncset.s32 $0xFFFFF086  }
0x25: {  	[simem:s6], [sflag:s4] =	dma.local [hbm:s3], $0xF7A  }
0x26: {  	[smem:$0x3F9F] =	sst s1;
	(tag) =	ssettag s2;
	_ =	strace s9  }
0x27: {  	s1 =	sld [smem:$0x3FAF]  }
0x28: {  	s2 =	sld [smem:$0x3FB0]  }
0x29: {  	s4 =	sld [smem:$0x3FB2]  }
0x2a: {  	p0 =	seq.s32 s5, $0x0;
	s5 =	sld [smem:$0x3FB3]  }
0x2b: {  	s6 =	sld [smem:$0x3FB4]  }
0x2c: {  	s7 =	sld [smem:$0x3FB5]  }
0x2d: {  	s3 =	simm.s32 $0x108;
	s8 =	sld [smem:$0x3FB6]  }
0x2e: {  	s3 =	simm.s32 @!p0 $0x1082;
	s9 =	sld [smem:$0x3FB7]  }
0x2f: {  	lr =	sadd.s32 s0, s3;
	s0 =	sld [smem:$0x3FAE]  }
0x30: {  	s3 =	sld [smem:$0x3FB1]  }
0x31: {  	[smem:$0x3FBA] =	sst s10  }
0x32: {  	s10 =	sld [smem:$0x3FB8];
	_ =	sdelay $0x3  }
0x33: {  	p0 =	seq.s32 s10, $0x1;
	s10 =	sld [smem:$0x3FBA];
	_ =	sdelay $0x3  }
0x34: {  	[smem:$0x3FBA] =	sst s10  }
0x35: {  	s10 =	sld [smem:$0x3FB9];
	_ =	sdelay $0x3  }
0x36: {  	p1 =	seq.s32 s10, $0x1;
	s10 =	sld [smem:$0x3FBA];
	_ =	sdelay $0x3  }
0x37: {  	[smem:$0x3FBA] =	sst s10  }
0x38: {  	s10 =	sld [smem:$0x3FBB]  }
0x39: {  	_ = 	snop;
	(pc) =	sbr.ind lr, $3  }
0x3a: {  	_ = 	snop  }
0x3b: {  	_ = 	snop  }
0x3c: {  	p2 =	seq.s32 s10, $0x1;
	s10 =	sld [smem:$0x3FBA]  }
0x3d: {  	_ =	shalt  }
0x3e: {  	_ =	shalt  }
0x3f: {  	_ =	shalt  }
0x40: {  	_ =	shalt  }
0x41: {  	_ =	shalt  }
0x42: {  	_ =	shalt  }
0x43: {  	_ =	shalt  }
0x44: {  	_ =	shalt  }
0x45: {  	_ =	shalt  }
0x46: {  	_ =	shalt  }
0x47: {  	_ =	shalt  }
0x48: {  	_ =	shalt  }
0x49: {  	_ =	shalt  }
0x4a: {  	_ =	shalt  }
0x4b: {  	_ =	shalt  }
0x4c: {  	_ =	shalt  }
0x4d: {  	_ =	shalt  }
0x4e: {  	_ =	shalt  }
0x4f: {  	_ =	shalt  }
0x50: {  	_ =	shalt  }
0x51: {  	_ =	shalt  }
0x52: {  	_ =	shalt  }
0x53: {  	_ =	shalt  }
0x54: {  	_ =	shalt  }
0x55: {  	_ =	shalt  }
0x56: {  	_ =	shalt  }
0x57: {  	_ =	shalt  }
0x58: {  	_ =	shalt  }
0x59: {  	_ =	shalt  }
0x5a: {  	_ =	shalt  }
0x5b: {  	_ =	shalt  }
0x5c: {  	_ =	shalt  }
0x5d: {  	_ =	shalt  }
0x5e: {  	_ =	shalt  }
0x5f: {  	_ =	shalt  }
0x60: {  	_ =	shalt  }
0x61: {  	_ =	shalt  }
0x62: {  	_ =	shalt  }
0x63: {  	_ =	shalt  }
0x64: {  	_ =	shalt  }
0x65: {  	_ =	shalt  }
0x66: {  	_ =	shalt  }
0x67: {  	_ =	shalt  }
0x68: {  	_ =	shalt  }
0x69: {  	_ =	shalt  }
0x6a: {  	_ =	shalt  }
0x6b: {  	_ =	shalt  }
0x6c: {  	_ =	shalt  }
0x6d: {  	_ =	shalt  }
0x6e: {  	_ =	shalt  }
0x6f: {  	_ =	shalt  }
0x70: {  	_ =	shalt  }
0x71: {  	_ =	shalt  }
0x72: {  	_ =	shalt  }
0x73: {  	_ =	shalt  }
0x74: {  	_ =	shalt  }
0x75: {  	_ =	shalt  }
0x76: {  	_ =	shalt  }
0x77: {  	_ =	shalt  }
0x78: {  	_ =	shalt  }
0x79: {  	_ =	shalt  }
0x7a: {  	_ =	shalt  }
0x7b: {  	_ =	shalt  }
0x7c: {  	_ =	shalt  }
0x7d: {  	_ =	shalt  }
0x7e: {  	_ =	shalt  }
0x7f: {  	_ =	shalt  }
0x80: {  	_ =	shalt  }
0x81: {  	_ =	shalt  }
0x82: {  	_ =	shalt  }
0x83: {  	_ =	shalt  }
0x84: {  	_ =	shalt  }
0x85: {  	_ =	shalt  }
0x86: {  	_ =	shalt  }
0x87: {  	_ =	shalt  }
.Lfunc_end0:
.L_simem_size_0:
called_computation_lowered:
.L_overlay_start_0:
0x88: {  	s2 =	sld [smem:$0x3FD9]  }
0x89: {  	s3 =	sld [smem:$0x3FFE];
	_ =	sdelay $0x1  }
0x8a: {  	s1 =	srdreg.scid  }
0x8b: {  	s0 =	sand.u32 $0x1, s1  }
0x8c: {  	s14 =	sshll.u32 s0, $0xA;
	s2 =	sadd.s32 s3, s2  }
0x8d: {  	s2 =	sadd.s32 s2, s14  }
0x8e: {  	[smem:$0x3FC6] =	sst s2  }
0x8f: {  	_ = 	snop  }
0x90: {  	s2 =	sld [smem:$0x3FD0];
	_ =	sdelay $0x2  }
0x91: {  	s15 =	simm.s32 $0xA;
	s4 =	simm.s32 $0x10  }
0x92: {  	[smem:s4], [sflag:s15] =	dma.local [hbm:s2], $0x1  }
0x93: {  	_ =	swait.eq [sflag:s15], $0x1  }
0x94: {  	[sflag:s15] =	ssyncset.done $0x0  }
0x95: {  	[sflag:s15] =	ssyncadd.s32 $0xFFFFFFFF  }
0x96: {  	s16 =	sld [smem:$0x11];
	(tm) =	ssettm $0x1  }
0x97: {  	s17 =	sld [smem:$0x3FFB];
	_ =	sdelay $0x3  }
0x98: {  	_ =	strace s17  }
0x99: {  	s3 =	sld [smem:$0x3FFC];
	_ =	sdelay $0x3  }
0x9a: {  	_ =	strace s3  }
0x9b: {  	s3 =	sld [smem:$0x3FFD];
	_ =	sdelay $0x3  }
0x9c: {  	_ =	strace s3  }
0x9d: {  	_ =	strace $0x8FFFFFFF  }
0x9e: {  	s18 =	sld [smem:$0x3FDB];
	_ =	sdelay $0x1  }
0x9f: {  	s19 =	simm.s32 $_scs_section_size  }
0xa0: {  	s5 =	simm.s32 $_size__tile_overlayer_lowered;
	s6 =	simm.s32 $_tile_overlayer_lowered  }
0xa1: {  	s22 =	simm.s32 $0x1BFF;
	s21 =	sshll.u32 s6, $0x1;
	s3 =	sadd.s32 s19, s18  }
0xa2: {  	s7 =	simm.s32 $0x0;
	s20 =	sshll.u32 s5, $0x1;
	s5 =	sadd.s32 s21, s3  }
0xa3: {  	[timem:s7], [sflag:s22] =	dma.local [hbm:s5], s20  }
0xa4: {  	_ =	swait.ge [sflag:s22], s20  }
0xa5: {  	s4 =	ssub.s32 $0x0, s20;
	[sflag:s22] =	ssyncset.done $0x0  }
0xa6: {  	[sflag:s22] =	ssyncadd.s32 s4;
	_ =	sdelay $0x1  }
0xa7: {  	s23 =	simm.s32 $0x1B8B  }
0xa8: {  	_ =	swait.ge [sflag:s23], $0x1  }
0xa9: {  	[sflag:s23] =	ssyncset.done $0x0  }
0xaa: {  	s25 =	simm.s32 $0x1B8E;
	s24 =	sld [smem:$0x3FFE];
	[sflag:s23] =	ssyncadd.s32 $0xFFFFFFFF  }
0xab: {  	s26 =	simm.s32 $execute0_lowered;
	[smem:$0x3FD2] =	sst s25  }
0xac: {  	s5 =	sshll.u32 s26, $0x1;
	_ =	strace $0x80000046;
	[dreg:$0x1] =	wrdreg $0xFFFFFFFF  }
0xad: {  	s28 =	simm.s32 $_size_execute0_lowered;
	s3 =	sadd.s32 s3, s5;
	[dreg:$0x0] =	wrdreg $0x0  }
0xae: {  	s5 =	sshll.u32 s28, $0x1;
	[dreg:$0x2] =	wrdreg s3  }
0xaf: {  	[dreg:$0x3] =	wrdreg s5  }
0xb0: {  	[dreg:$0x4] =	wrdreg $0xC0  }
0xb1: {  	_ =	task [dreg:s7], $0x5FFFF  }
0xb2: {  	[dreg:$0x1] =	wrdreg $0xFFFFFFFF  }
0xb3: {  	[dreg:$0x0] =	wrdreg $0x60  }
0xb4: {  	[dreg:$0x2] =	wrdreg s24  }
0xb5: {  	[dreg:$0x3] =	wrdreg s16  }
0xb6: {  	[dreg:$0x4] =	wrdreg $0x9  }
0xb7: {  	_ =	task.clear_ibuf [dreg:s7], $0x5FFFF;
	_ =	strace $0x90000046  }
0xb8: {  	s29 =	simm.s32 $0x9;
	_ =	strace $0x80000048  }
0xb9: {  	_ =	swait.ge [sflag:s29], $0x1  }
0xba: {  	[sflag:s29] =	ssyncadd.s32 $0xFFFFFFFF  }
0xbb: {  	_ =	strace $0x90000048  }
0xbc: {  	_ =	sfence  }
0xbd: {  	s30 =	sld [smem:$0x0];
	_ =	sdelay $0x2  }
0xbe: {  	s31 =	sshll.u32 s1, $0xD;
	s1 =	sshrl.u32 s1, $0x2  }
0xbf: {  	s3 =	sand.u32 $0x4000, s31;
	s1 =	sadd.s32 s1, s30  }
0xc0: {  	s0 =	sor.u32 s3, s0;
	s1 =	sshll.u32 s1, $0x11  }
0xc1: {  	s0 =	sor.u32 s1, s0  }
0xc2: {  	s0 =	sadd.s32 $0x8F2B, s0  }
0xc3: {  	[sflag:s0] =	ssyncadd.remote.s32 $0x1  }
0xc4: {  	_ =	sfence.sel $0xFFFF  }
0xc5: {  	[dreg:$0x0] =	wrdreg $0xFFFFFFFF;
	(pc) =	sbr.abs _section_cstart, $3  }
0xc6: {  	[dreg:$0x1] =	wrdreg $0xFFFFFFFF  }
0xc7: {  	_ =	task.clear_ibuf [dreg:s7], $0x2FFFF;
	_ =	strace $0x9FFFFFFF  }
0xc8: {  	(tm) =	ssettm $0x7FFFFFFF  }
0xc9: {  	_ =	shalt  }
tec
execute0_lowered:
.L_overlay_start_1:
0x0: {  	(tag) =	ssettag $0x1  }
0x1: {  	s3 =	rddreg [dreg:$0x0]  }
0x2: {  	s4 =	rddreg [dreg:$0x1]  }
0x3: {  	s2 =	srdreg.scid;
	s1 =	stileid.u32;
	s10 =	simm.s32 $0x2000  }
0x4: {  	s11 =	simm.s32 $0x2400;
	s12 =	simm.s32 $0x2800;
	s13 =	simm.s32 $0x2C00  }
0x5: {  	s14 =	simm.s32 $0x0;
	s5 =	sand.u32 $0x1, s2;
	s2 =	simm.s32 $0x0  }
0x6: {  	s6 =	sshll.u32 s1, $0xB;
	s7 =	sshll.u32 s5, $0xA;
	[smem:$0x7FF] =	sst s2  }
0x7: {  	s5 =	ssub.s32 $0x2, s5;
	s6 =	sor.u32 s7, s6;
	_ =	strace $0x80000047  }
0x8: {  	s8 =	sshrl.u32 s5, $0x1;
	s7 =	sshrl.u32 s6, $0x3;
	s6 =	sadd.s32 s6, s3  }
0x9: {  	s8 =	ssub.s32 s5, s8;
	s9 =	sadd.s32 s7, s3;
	s3 =	sadd.s32 $0xC00, s6  }
0xa: {  	s4 =	sadd.s32 s4, s7;
	s8 =	smax.u32 s8, $0x1;
	s5 =	sadd.s32 $0x8C00, s9  }
0xb: {  	v0 =	vimm.s32 $0x0;
	s6 =	sadd.s32 $0x9C00, s9;
	s7 =	sadd.s32 $0xAC00, s9;
	s9 =	simm.s32 $0x1  }
.LBB2_1:
0xc: {  	[tilespmem:s2], [sflag:$0x1] =	stream.linear.gather [hbm4b:s3+s2], $0x2000, $0x38;
	[tilespmem:$0x3000] =	vst v63  }
0xd: {  	s19 =	sand.u32 $0x40, s2;
	_ =	swait.ge [sflag:s9], $0x2000  }
0xe: {  	s20 =	sand.u32 $0x1C00, s2;
	s15 =	sor.u32 $0x30, s19;
	[sflag:s9] =	ssyncset.done $0x0  }
0xf: {  	s16 =	sor.u32 s15, s20;
	[sflag:s9] =	ssyncadd.s32 $0xFFFFE000  }
0x10: {  	v2 =	vld [tilespmem:s16+$0x300]  }
0x11: {  	v4 =	vld [tilespmem:s16+$0x380]  }
0x12: {  	v1 =	vld [tilespmem:s16+$0x0]  }
0x13: {  	v3 =	vld [tilespmem:s16+$0x80]  }
0x14: {  	v5 =	vld [tilespmem:s16+$0x100]  }
0x15: {  	v6 =	vld [tilespmem:s16+$0x200]  }
0x16: {  	s17 =	sor.u32 $0x20, s19;
	v8 =	vld [tilespmem:s16+$0x280]  }
0x17: {  	s21 =	sor.u32 s17, s20;
	v9 =	vld [tilespmem:s16+$0x180]  }
0x18: {  	v22 =	vld [tilespmem:s21+$0x0]  }
0x19: {  	v24 =	vld [tilespmem:s21+$0x80]  }
0x1a: {  	v17 =	vld [tilespmem:s21+$0x100]  }
0x1b: {  	s16 =	sor.u32 $0x10, s19;
	v18 =	vld [tilespmem:s21+$0x180];
	s19 =	sor.u32 s19, s20  }
0x1c: {  	v29 =	vld [tilespmem:s19+$0x0]  }
0x1d: {  	v30 =	vld [tilespmem:s19+$0x80]  }
0x1e: {  	v21 =	vld [tilespmem:s19+$0x100]  }
0x1f: {  	v25 =	vld [tilespmem:s19+$0x180]  }
0x20: {  	v15 =	vld [tilespmem:s19+$0x200]  }
0x21: {  	v61 =	vimm.s32 $0x0;
	s18 =	sor.u32 s16, s20;
	v16 =	vld [tilespmem:s19+$0x280];
	v7 =	vmax.f32 v6, v8;
	v10 =	vmax.f32 v2, v4  }
0x22: {  	v19 =	vld [tilespmem:s18+$0x0];
	v11 =	vmax.f32 v1, v3;
	v12 =	vmax.f32 v5, v9;
	v35 =	vmax.f32 v22, v24  }
0x23: {  	v20 =	vld [tilespmem:s18+$0x80];
	v36 =	vmax.f32 v17, v18;
	vm0 =	vge.f32 v7, v10;
	vm3 =	vge.f32 v11, v7  }
0x24: {  	vm4 =	vge.f32 v12, v7;
	vm1 =	vge.f32 v12, v10;
	vm5 =	vge.f32 v11, v12  }
0x25: {  	vm2 =	vge.f32 v11, v10;
	v38 =	vmax.f32 v29, v30;
	v39 =	vmax.f32 v21, v25  }
0x26: {  	v40 =	vmax.f32 v15, v16;
	v12 =	vsel vm3, $0x1, v0;
	vm6 =	vmneg vm5  }
0x27: {  	v10 =	vsel vm5, $0x1, v0;
	vm3 =	vmneg vm3;
	vm5 =	vmneg vm0  }
0x28: {  	v31 =	vmax.f32 v19, v20;
	vm12 =	vge.f32 v38, v39;
	vm10 =	vge.f32 v38, v40  }
0x29: {  	v7 =	vsel vm6, $0x1, v0;
	v11 =	vsel vm3, $0x1, v0;
	vm3 =	vmneg vm2  }
0x2a: {  	vm14 =	vmneg vm12;
	vm15 =	vmneg vm10;
	v59 =	vsel vm12, $0x1, v0  }
0x2b: {  	v50 =	vsel vm10, $0x1, v0;
	v7 =	vadd.s32 v7, v11;
	v11 =	vsel vm3, $0x1, v0  }
0x2c: {  	vm3 =	vmneg vm4;
	v53 =	vsel vm14, $0x1, v0;
	v54 =	vsel vm15, $0x1, v0  }
0x2d: {  	vm14 =	vge.f32 v39, v40;
	v11 =	vadd.s32 v11, v7;
	v13 =	vsel vm3, $0x1, v0  }
0x2e: {  	vm3 =	vmneg vm1;
	v51 =	vsel vm14, $0x1, v0;
	v10 =	vadd.s32 v10, v13  }
0x2f: {  	v13 =	vsel vm3, $0x1, v0;
	vm3 =	vlt.u32 v11, $0x2;
	v11 =	vsel vm4, $0x1, v0  }
0x30: {  	v14 =	vld [tilespmem:s18+$0x180];
	v10 =	vadd.s32 v13, v10;
	v13 =	vnsel vm3, $0xFF800000, v1;
	v23 =	vnsel vm3, $0xFF800000, v3  }
0x31: {  	v7 =	vld [tilespmem:s18+$0x100];
	v11 =	vadd.s32 v11, v12;
	v12 =	vsel vm5, $0x1, v0;
	vm4 =	vlt.u32 v10, $0x2  }
0x32: {  	v1 =	vld [tilespmem:s18+$0x200];
	vm3 =	vgt.f32 v23, v13;
	v11 =	vadd.s32 v12, v11;
	v12 =	vsel vm2, $0x1, v0  }
0x33: {  	v3 =	vld [tilespmem:s18+$0x280];
	v10 =	vnsel vm4, $0xFF800000, v5;
	v5 =	vsel vm3, v23, v13;
	v26 =	vnsel vm4, $0xFF800000, v9  }
0x34: {  	vm2 =	vlt.u32 v11, $0x2;
	v11 =	vsel vm1, $0x1, v0;
	vm5 =	vgt.f32 v10, v5  }
0x35: {  	v27 =	vnsel vm2, $0xFF800000, v6;
	v6 =	vadd.s32 v11, v12;
	v12 =	vsel vm0, $0x1, v0  }
0x36: {  	v9 =	vld [tilespmem:s21+$0x200];
	v28 =	vnsel vm2, $0xFF800000, v8;
	v5 =	vsel vm5, v10, v5;
	v6 =	vadd.s32 v12, v6  }
0x37: {  	v11 =	vld [tilespmem:s21+$0x280];
	v33 =	vmax.f32 v7, v14;
	vm4 =	vgt.f32 v26, v5;
	vm2 =	vlt.u32 v6, $0x2  }
0x38: {  	v6 =	vsel vm3, $0x1, v0;
	v34 =	vmax.f32 v1, v3;
	v5 =	vsel vm4, v26, v5  }
0x39: {  	v2 =	vnsel vm2, $0xFF800000, v2;
	v6 =	vsel vm5, $0x2, v6;
	v4 =	vnsel vm2, $0xFF800000, v4  }
0x3a: {  	vm5 =	vge.f32 v35, v36;
	vm15 =	vge.f32 v33, v34;
	vm1 =	vgt.f32 v27, v5  }
0x3b: {  	v6 =	vsel vm4, $0x3, v6;
	vm4 =	vge.f32 v31, v34;
	v5 =	vsel vm1, v27, v5  }
0x3c: {  	vm11 =	vmneg vm5;
	v37 =	vmax.f32 v9, v11;
	vm3 =	vgt.f32 v28, v5  }
0x3d: {  	v60 =	vsel vm5, $0x1, v0;
	vm6 =	vge.f32 v35, v37;
	v5 =	vsel vm3, v28, v5  }
0x3e: {  	v6 =	vsel vm1, $0x4, v6;
	vm13 =	vmneg vm6;
	vm0 =	vgt.f32 v2, v5  }
0x3f: {  	v52 =	vsel vm11, $0x1, v0;
	v45 =	vsel vm13, $0x1, v0;
	v32 =	vsel vm0, v2, v5  }
0x40: {  	v5 =	vsel vm3, $0x5, v6;
	v6 =	vimm.s32 $0x0;
	vm1 =	vgt.f32 v4, v32  }
0x41: {  	vm3 =	vge.f32 v31, v33;
	v5 =	vsel vm0, $0x6, v5;
	vm7 =	vmneg vm1  }
0x42: {  	v58 =	vsel vm3, $0x1, v0;
	v42 =	vnsel vm7, $0x7, v5;
	vm0 =	vmand vm0, vm7  }
0x43: {  	v44 =	vnsel vm7, $0xFF800000, v4;
	v4 =	vsel vm7, v32, v4;
	v32 =	vadd.s32 v52, v45  }
0x44: {  	v45 =	vadd.s32 v51, v50;
	vm1 =	veq.s32 v42, $0x0;
	vm2 =	veq.s32 v42, $0x1  }
0x45: {  	v2 =	vsel vm0, $0xFF800000, v2;
	v13 =	vsel vm1, $0xFF800000, v13;
	v23 =	vsel vm2, $0xFF800000, v23  }
0x46: {  	[tilespmem:$0x1FEB0] =	vst v42;
	vm0 =	vmneg vm3;
	vm1 =	veq.s32 v42, $0x2;
	vm2 =	vgt.f32 v23, v13  }
0x47: {  	v8 =	vld [tilespmem:s18+$0x300];
	v41 =	vsel vm1, $0xFF800000, v10;
	vm1 =	veq.s32 v42, $0x3;
	v6 =	vsel vm2, $0xFFFFFFFF, v6  }
0x48: {  	v5 =	vld [tilespmem:s18+$0x380];
	v23 =	vsel vm2, v23, v13;
	v26 =	vsel vm1, $0xFF800000, v26;
	vm1 =	veq.s32 v42, $0x4  }
0x49: {  	v12 =	vld [tilespmem:s21+$0x300];
	v10 =	vimm.s32 $0x0;
	[tilespmem:$0x1FD20] =	vst v6;
	vm2 =	vgt.f32 v41, v23;
	v27 =	vsel vm1, $0xFF800000, v27  }
0x4a: {  	vm1 =	veq.s32 v42, $0x5;
	v6 =	vld [tilespmem:s21+$0x380];
	v10 =	vsel vm2, $0xFFFFFFFF, v10;
	v23 =	vsel vm2, v41, v23  }
0x4b: {  	v28 =	vsel vm1, $0xFF800000, v28;
	vm1 =	vmneg vm4;
	vm2 =	vgt.f32 v26, v23  }
0x4c: {  	v62 =	vsel vm0, $0x1, v0;
	v13 =	vld [tilespmem:s19+$0x300];
	[tilespmem:$0x1FD30] =	vst v10;
	v63 =	vsel vm1, $0x1, v0;
	v41 =	vsel vm2, $0xFFFFFFFF, v61  }
0x4d: {  	v10 =	vld [tilespmem:s19+$0x380];
	v26 =	vsel vm2, v26, v23;
	v23 =	vadd.s32 v62, v63;
	[tilespmem:$0x1FD40] =	vst v41;
	v41 =	vmax.f32 v8, v5  }
0x4e: {  	vm3 =	vgt.f32 v27, v26;
	vm9 =	vge.f32 v31, v41;
	vm13 =	vge.f32 v33, v41  }
0x4f: {  	v27 =	vsel vm3, v27, v26;
	v42 =	vmax.f32 v12, v6;
	vm1 =	vmneg vm9  }
0x50: {  	v31 =	vsel vm6, $0x1, v0;
	vm7 =	vge.f32 v35, v42;
	v47 =	vsel vm1, $0x1, v0  }
0x51: {  	vm1 =	vmneg vm14;
	v35 =	vadd.s32 v53, v54;
	vm12 =	vge.f32 v36, v42  }
0x52: {  	v43 =	vmax.f32 v13, v10;
	vm11 =	vmneg vm7;
	v55 =	vsel vm1, $0x1, v0  }
0x53: {  	vm1 =	vmneg vm15;
	v23 =	vadd.s32 v47, v23;
	vm8 =	vge.f32 v38, v43  }
0x54: {  	v48 =	vsel vm11, $0x1, v0;
	v56 =	vsel vm1, $0x1, v0;
	vm11 =	vge.f32 v39, v43  }
0x55: {  	vm10 =	vge.f32 v40, v43;
	vm0 =	vmneg vm8;
	v32 =	vadd.s32 v48, v32  }
0x56: {  	v39 =	vadd.s32 v58, v56;
	vm6 =	vmneg vm10;
	v51 =	vsel vm10, $0x1, v0  }
0x57: {  	v46 =	vsel vm0, $0x1, v0;
	vm0 =	vge.f32 v36, v37;
	v54 =	vsel vm6, $0x1, v0  }
0x58: {  	vm1 =	vmneg vm0;
	v35 =	vadd.s32 v46, v35;
	v49 =	vsel vm0, $0x1, v0  }
0x59: {  	v57 =	vsel vm1, $0x1, v0;
	vm1 =	vmneg vm13;
	vm5 =	vlt.u32 v35, $0x2  }
0x5a: {  	v31 =	vadd.s32 v49, v31;
	v61 =	vsel vm1, $0x1, v0;
	vm1 =	vmneg vm12  }
0x5b: {  	v26 =	vnsel vm5, $0xFF800000, v29;
	v29 =	vsel vm4, $0x1, v0;
	vm4 =	vgt.f32 v28, v27  }
0x5c: {  	v36 =	vadd.s32 v60, v57;
	v57 =	vsel vm13, $0x1, v0;
	v62 =	vsel vm1, $0x1, v0  }
0x5d: {  	vm1 =	vmneg vm11;
	v27 =	vsel vm4, v28, v27;
	v28 =	vadd.s32 v61, v39  }
0x5e: {  	v61 =	vsel vm7, $0x1, v0;
	v63 =	vsel vm1, $0x1, v0;
	vm1 =	vlt.u32 v23, $0x2  }
0x5f: {  	v23 =	vnsel vm1, $0xFF800000, v19;
	v20 =	vnsel vm1, $0xFF800000, v20;
	vm1 =	vlt.u32 v32, $0x2  }
0x60: {  	v19 =	vnsel vm1, $0xFF800000, v22;
	v22 =	vnsel vm1, $0xFF800000, v24;
	v24 =	vnsel vm5, $0xFF800000, v30  }
0x61: {  	v30 =	vsel vm15, $0x1, v0;
	vm5 =	vgt.f32 v2, v27;
	vm15 =	vge.f32 v34, v41  }
0x62: {  	vm1 =	vge.f32 v37, v42;
	vm14 =	vgt.f32 v20, v23;
	vm0 =	vmneg vm15  }
0x63: {  	v2 =	vsel vm5, v2, v27;
	vm13 =	vgt.f32 v22, v19;
	v58 =	vsel vm14, v20, v23  }
0x64: {  	v29 =	vadd.s32 v30, v29;
	v49 =	vsel vm15, $0x1, v0;
	v50 =	vsel vm1, $0x1, v0  }
0x65: {  	v52 =	vsel vm0, $0x1, v0;
	vm0 =	vmneg vm1;
	vm6 =	vgt.f32 v44, v2  }
0x66: {  	v53 =	vsel vm0, $0x1, v0;
	vm0 =	vlt.u32 v28, $0x2;
	v29 =	vadd.s32 v52, v29  }
0x67: {  	v28 =	vadd.s32 v54, v45;
	v54 =	vsel vm14, $0x1, v0;
	v27 =	vnsel vm0, $0xFF800000, v7  }
0x68: {  	v14 =	vnsel vm0, $0xFF800000, v14;
	v7 =	vsel vm6, v44, v2;
	v2 =	vadd.s32 v59, v55  }
0x69: {  	v55 =	vadd.s32 v62, v36;
	v36 =	vsel vm8, $0x1, v0;
	v59 =	vsel vm13, v22, v19  }
0x6a: {  	v62 =	vsel vm12, $0x1, v0;
	v31 =	vadd.s32 v53, v31;
	vm10 =	vlt.u32 v29, $0x2  }
0x6b: {  	v56 =	vadd.f32 v7, v4;
	v38 =	vadd.s32 v63, v2;
	vm0 =	vlt.u32 v55, $0x2  }
0x6c: {  	vm7 =	vgt.f32 v27, v58;
	v63 =	vsel vm11, $0x1, v0;
	v1 =	vnsel vm10, $0xFF800000, v1  }
0x6d: {  	v29 =	vnsel vm10, $0xFF800000, v3;
	vm10 =	vlt.u32 v31, $0x2;
	v55 =	vsel vm13, $0x1, v0  }
0x6e: {  	v17 =	vnsel vm0, $0xFF800000, v17;
	v2 =	vnsel vm0, $0xFF800000, v18;
	vm0 =	vlt.u32 v38, $0x2  }
0x6f: {  	v46 =	vsel vm7, v27, v58;
	v9 =	vnsel vm10, $0xFF800000, v9;
	v11 =	vnsel vm10, $0xFF800000, v11  }
0x70: {  	vm10 =	vlt.u32 v28, $0x2;
	v36 =	vadd.s32 v63, v36;
	v32 =	vsel vm7, $0x2, v54  }
0x71: {  	v18 =	vnsel vm0, $0xFF800000, v21;
	v21 =	vnsel vm0, $0xFF800000, v25;
	(erf) = vrcp.f32 v56  }
0x72: {  	v25 =	vsel vm9, $0x1, v0;
	vm0 =	vgt.f32 v24, v26;
	vm8 =	vgt.f32 v17, v59  }
0x73: {  	vm11 =	vgt.f32 v14, v46;
	v15 =	vnsel vm10, $0xFF800000, v15;
	v16 =	vnsel vm10, $0xFF800000, v16  }
0x74: {  	v60 =	vsel vm0, v24, v26;
	v47 =	vsel vm8, v17, v59;
	v3 =	vsel vm11, v14, v46  }
0x75: {  	v56 =	vsel vm0, $0x1, v0;
	v25 =	vadd.s32 v57, v25;
	v57 =	vadd.s32 v62, v61  }
0x76: {  	v59 =	vadd.s32 v51, v36;
	v34 =	vsel vm8, $0x2, v55;
	v32 =	vsel vm11, $0x3, v32  }
0x77: {  	vm9 =	vgt.f32 v18, v60;
	vm1 =	vgt.f32 v2, v47;
	vm12 =	vgt.f32 v1, v3  }
0x78: {  	v25 =	vadd.s32 v49, v25;
	v58 =	vadd.s32 v50, v57;
	vm7 =	vlt.u32 v59, $0x2  }
0x79: {  	v48 =	vsel vm9, v18, v60;
	v52 =	vsel vm1, v2, v47;
	v3 =	vsel vm12, v1, v3  }
0x7a: {  	v35 =	vsel vm9, $0x2, v56;
	vm11 =	vlt.u32 v25, $0x2;
	v60 =	vsel vm1, $0x3, v34  }
0x7b: {  	vm1 =	vlt.u32 v58, $0x2;
	v13 =	vnsel vm7, $0xFF800000, v13;
	v32 =	vsel vm12, $0x4, v32  }
0x7c: {  	v10 =	vnsel vm7, $0xFF800000, v10;
	vm10 =	vgt.f32 v21, v48;
	vm13 =	vgt.f32 v9, v52  }
0x7d: {  	vm14 =	vgt.f32 v29, v3;
	v8 =	vnsel vm11, $0xFF800000, v8;
	v12 =	vnsel vm1, $0xFF800000, v12  }
0x7e: {  	v63 =	vnsel vm11, $0xFF800000, v5;
	v36 =	vnsel vm1, $0xFF800000, v6;
	v53 =	vsel vm10, v21, v48  }
0x7f: {  	v28 =	vsel vm13, v9, v52;
	v61 =	vsel vm10, $0x3, v35;
	v3 =	vsel vm14, v29, v3  }
0x80: {  	v25 =	vsel vm13, $0x4, v60;
	vm0 =	vgt.f32 v15, v53;
	vm8 =	vgt.f32 v11, v28  }
0x81: {  	vm9 =	vgt.f32 v8, v3;
	v31 =	vsel vm0, v15, v53;
	v28 =	vsel vm8, v11, v28  }
0x82: {  	v30 =	vsel vm0, $0x4, v61;
	v62 =	vsel vm9, v8, v3;
	v3 =	vsel vm14, $0x5, v32  }
0x83: {  	v5 =	vsel vm8, $0x5, v25;
	vm15 =	vgt.f32 v16, v31;
	vm10 =	vgt.f32 v12, v28  }
0x84: {  	vm0 =	vgt.f32 v63, v62;
	v3 =	vsel vm9, $0x6, v3;
	v31 =	vsel vm15, v16, v31  }
0x85: {  	v28 =	vsel vm10, v12, v28;
	v6 =	vsel vm15, $0x5, v30;
	vm12 =	vmneg vm0  }
0x86: {  	v5 =	vsel vm10, $0x6, v5;
	vm13 =	vgt.f32 v13, v31;
	vm1 =	vgt.f32 v36, v28  }
0x87: {  	v31 =	vsel vm13, v13, v31;
	vm11 =	vmneg vm1;
	v37 =	vsel vm13, $0x6, v6  }
0x88: {  	[tilespmem:$0x1FDC0] =	vst v4;
	v6 =	vnsel vm12, $0x7, v3;
	vm7 =	vgt.f32 v10, v31;
	v4 =	vnsel vm11, $0x7, v5  }
0x89: {  	vm0 =	veq.s32 v6, $0x0;
	vm1 =	veq.s32 v6, $0x1;
	v42 =	vnsel vm11, $0xFF800000, v36  }
0x8a: {  	vm8 =	vmneg vm7;
	v23 =	vsel vm0, $0xFF800000, v23;
	vm0 =	veq.s32 v4, $0x0  }
0x8b: {  	v20 =	vsel vm1, $0xFF800000, v20;
	vm1 =	veq.s32 v4, $0x1;
	v3 =	vnsel vm8, $0x7, v37  }
0x8c: {  	v19 =	vsel vm0, $0xFF800000, v19;
	v22 =	vsel vm1, $0xFF800000, v22;
	vm2 =	vgt.f32 v20, v23  }
0x8d: {  	[tilespmem:$0x1FDB0] =	vst v7;
	vm1 =	veq.s32 v6, $0x2;
	v43 =	vnsel vm8, $0xFF800000, v10;
	v7 =	vsel vm8, v31, v10  }
0x8e: {  	vm7 =	veq.s32 v3, $0x0;
	v39 =	vsel vm1, $0xFF800000, v27;
	vm1 =	veq.s32 v3, $0x2  }
0x8f: {  	vm0 =	vgt.f32 v22, v19;
	v38 =	vsel vm7, $0xFF800000, v26;
	vm7 =	veq.s32 v3, $0x1  }
0x90: {  	v18 =	vsel vm1, $0xFF800000, v18;
	vm1 =	veq.s32 v6, $0x3;
	v24 =	vsel vm7, $0xFF800000, v24  }
0x91: {  	vm7 =	veq.s32 v4, $0x2;
	v14 =	vsel vm1, $0xFF800000, v14;
	vm1 =	veq.s32 v3, $0x3  }
0x92: {  	v17 =	vsel vm7, $0xFF800000, v17;
	vm7 =	veq.s32 v4, $0x3;
	v21 =	vsel vm1, $0xFF800000, v21  }
0x93: {  	vm1 =	veq.s32 v6, $0x4;
	v2 =	vsel vm7, $0xFF800000, v2;
	vm7 =	veq.s32 v4, $0x4  }
0x94: {  	v1 =	vsel vm1, $0xFF800000, v1;
	vm1 =	veq.s32 v3, $0x4;
	v9 =	vsel vm7, $0xFF800000, v9  }
0x95: {  	v40 =	vsel vm1, $0xFF800000, v15;
	vm1 =	veq.s32 v6, $0x5;
	vm7 =	veq.s32 v4, $0x5  }
0x96: {  	v15 =	vsel vm2, v20, v23;
	v29 =	vsel vm1, $0xFF800000, v29;
	vm1 =	veq.s32 v3, $0x5  }
0x97: {  	v11 =	vsel vm7, $0xFF800000, v11;
	vm7 =	vmand vm9, vm12;
	vm9 =	vmand vm10, vm11  }
0x98: {  	[tilespmem:$0x1FF60] =	vst v3;
	vm14 =	vgt.f32 v39, v15;
	v3 =	vsel vm12, v62, v63;
	v41 =	vsel vm1, $0xFF800000, v16  }
0x99: {  	vm1 =	vgt.f32 v24, v38;
	v16 =	vsel vm0, v22, v19;
	v8 =	vsel vm7, $0xFF800000, v8  }
0x9a: {  	vm7 =	vmand vm13, vm8;
	v12 =	vsel vm9, $0xFF800000, v12;
	v20 =	vsel vm14, v39, v15  }
0x9b: {  	v15 =	vsel vm11, v28, v36;
	v19 =	vsel vm1, v24, v38;
	vm15 =	vgt.f32 v17, v16  }
0x9c: {  	[tilespmem:$0x1FED0] =	vst v4;
	v4 =	vld [tilespmem:$0x1FD20];
	v13 =	vsel vm7, $0xFF800000, v13;
	vm10 =	vgt.f32 v14, v20;
	v44 =	vsel vm1, $0x1, v0  }
0x9d: {  	vm13 =	vgt.f32 v18, v19;
	v17 =	vsel vm15, v17, v16;
	v10 =	vsel vm10, v14, v20  }
0x9e: {  	v18 =	vsel vm13, v18, v19;
	v19 =	vnsel vm12, $0xFF800000, v63;
	vm12 =	vgt.f32 v2, v17  }
0x9f: {  	vm7 =	vgt.f32 v1, v10;
	vm9 =	vgt.f32 v21, v18;
	v2 =	vsel vm12, v2, v17  }
0xa0: {  	v17 =	vsel vm2, $0x1, v0;
	v1 =	vsel vm7, v1, v10;
	v14 =	vsel vm9, v21, v18  }
0xa1: {  	v18 =	vsel vm0, $0x1, v0;
	vm8 =	vgt.f32 v9, v2;
	vm0 =	vnez.u8 v4  }
0xa2: {  	vm2 =	vgt.f32 v29, v1;
	v4 =	vld [tilespmem:$0x1FD30];
	vm1 =	vgt.f32 v40, v14;
	v2 =	vsel vm8, v9, v2  }
0xa3: {  	v1 =	vsel vm2, v29, v1;
	v9 =	vsel vm1, v40, v14;
	vm11 =	vgt.f32 v11, v2  }
0xa4: {  	v2 =	vsel vm11, v11, v2;
	v11 =	vsel vm13, $0x2, v44;
	vm13 =	vgt.f32 v8, v1  }
0xa5: {  	v14 =	vsel vm14, $0x2, v17;
	v17 =	vsel vm15, $0x2, v18;
	v1 =	vsel vm13, v8, v1  }
0xa6: {  	v8 =	vsel vm10, $0x3, v14;
	v14 =	vsel vm12, $0x3, v17;
	vm12 =	vgt.f32 v19, v1  }
0xa7: {  	s19 =	simm.s32 $0x40;
	[tilespmem:$0x1FEC0] =	vst v6;
	v10 =	vsel vm0, $0x1, v0;
	vm0 =	vnez.u8 v4;
	v4 =	vsel vm12, v19, v1;
	v1 =	vld [tilespmem:$0x1FD40]  }
0xa8: {  	s28 =	simm.s32 $0x200;
	s26 =	sand.u32 $0x40, s19;
	[tilespmem:$0x1FE40] =	vst v7  }
0xa9: {  	s23 =	sand.u32 $0x1C00, s28;
	s20 =	sor.u32 $0x30, s26;
	[tilespmem:$0x1FDE0] =	vst v3;
	vm14 =	vgt.f32 v41, v9  }
0xaa: {  	s29 =	sor.u32 s20, s23;
	[tilespmem:$0x1FE10] =	vst v15;
	v9 =	vsel vm14, v41, v9  }
0xab: {  	v20 =	vld [tilespmem:s29+$0x300];
	vm15 =	vgt.f32 v12, v2;
	vm10 =	vgt.f32 v13, v9  }
0xac: {  	v21 =	vld [tilespmem:s29+$0x380];
	v2 =	vsel vm15, v12, v2;
	v10 =	vsel vm0, $0x2, v10;
	vm0 =	vnez.u8 v1  }
0xad: {  	v45 =	vld [tilespmem:s29+$0x0];
	v9 =	vsel vm10, v13, v9;
	[tilespmem:$0x1FDF0] =	vst v4;
	v1 =	vsel vm0, $0x3, v10;
	vm0 =	vgt.f32 v42, v2  }
0xae: {  	v11 =	vsel vm9, $0x3, v11;
	vm9 =	vgt.f32 v43, v9;
	v12 =	vld [tilespmem:s29+$0x80];
	v17 =	vsel vm0, v42, v2  }
0xaf: {  	v13 =	vld [tilespmem:s29+$0x100];
	v16 =	vsel vm9, v43, v9;
	[tilespmem:$0x1FE20] =	vst v17  }
0xb0: {  	v8 =	vsel vm7, $0x4, v8;
	v10 =	vadd.f32 v4, v3;
	v2 =	vld [tilespmem:s29+$0x200];
	[tilespmem:$0x1FE50] =	vst v16  }
0xb1: {  	v47 =	vmax.f32 v20, v21;
	v8 =	vsel vm2, $0x5, v8;
	v9 =	vsel vm8, $0x4, v14;
	v46 =	vld [tilespmem:s29+$0x280]  }
0xb2: {  	v1 =	vsel vm3, $0x4, v1;
	(erf) = vrcp.f32 v10;
	v10 =	vsel vm1, $0x4, v11;
	v11 =	vld [tilespmem:s29+$0x180]  }
0xb3: {  	v8 =	vsel vm13, $0x6, v8;
	v9 =	vsel vm11, $0x5, v9;
	v1 =	vsel vm4, $0x5, v1  }
0xb4: {  	v3 =	vsel vm12, $0x7, v8;
	v48 =	vmax.f32 v45, v12;
	v1 =	vsel vm5, $0x6, v1  }
0xb5: {  	v9 =	vsel vm15, $0x6, v9;
	vm3 =	vge.f32 v48, v47;
	[tilespmem:$0x1FEF0] =	vst v3;
	v1 =	vsel vm6, $0x7, v1  }
0xb6: {  	s21 =	sor.u32 $0x10, s26;
	v10 =	vsel vm14, $0x5, v10;
	v3 =	vsel vm0, $0x7, v9;
	[tilespmem:$0x1FF10] =	vst v1;
	v1 =	vmax.f32 v2, v46  }
0xb7: {  	s24 =	sor.u32 s21, s23;
	v14 =	vsel vm10, $0x6, v10;
	[tilespmem:$0x1FF00] =	vst v3;
	v49 =	vmax.f32 v13, v11;
	vm1 =	vge.f32 v1, v47  }
0xb8: {  	v35 =	vld [tilespmem:s24+$0x0];
	vm0 =	vge.f32 v48, v1;
	vm4 =	vge.f32 v49, v1;
	vm5 =	vge.f32 v48, v49  }
0xb9: {  	v36 =	vld [tilespmem:s24+$0x80];
	vm2 =	vge.f32 v49, v47;
	vm6 =	vmneg vm5;
	v1 =	vsel vm5, $0x1, v0  }
0xba: {  	v24 =	vld [tilespmem:s24+$0x100];
	vm5 =	vmneg vm0;
	v55 =	vsel vm0, $0x1, v0;
	v56 =	vsel vm4, $0x1, v0  }
0xbb: {  	s22 =	sor.u32 $0x20, s26;
	v30 =	vld [tilespmem:s24+$0x180];
	v50 =	vsel vm6, $0x1, v0;
	v51 =	vsel vm5, $0x1, v0;
	vm5 =	vmneg vm3  }
0xbc: {  	s25 =	sor.u32 s22, s23;
	v6 =	vld [tilespmem:s24+$0x200];
	v23 =	vadd.s32 v50, v51;
	v52 =	vsel vm5, $0x1, v0;
	vm5 =	vmneg vm4  }
0xbd: {  	v41 =	vld [tilespmem:s25+$0x0];
	v23 =	vadd.s32 v52, v23;
	v53 =	vsel vm5, $0x1, v0;
	vm5 =	vmneg vm2  }
0xbe: {  	v42 =	vld [tilespmem:s25+$0x80];
	v1 =	vadd.s32 v1, v53;
	v54 =	vsel vm5, $0x1, v0;
	vm5 =	vlt.u32 v23, $0x2  }
0xbf: {  	v33 =	vld [tilespmem:s25+$0x100];
	v27 =	vnsel vm5, $0xFF800000, v45;
	v28 =	vnsel vm5, $0xFF800000, v12;
	vm5 =	vmneg vm1  }
0xc0: {  	v34 =	vld [tilespmem:s25+$0x180];
	v23 =	vadd.s32 v56, v55;
	v26 =	vadd.s32 v54, v1;
	v58 =	vsel vm5, $0x1, v0  }
0xc1: {  	v12 =	vld [tilespmem:s24+$0x280];
	v1 =	vsel vm9, $0x7, v14;
	vm0 =	vlt.u32 v26, $0x2;
	v23 =	vadd.s32 v58, v23  }
0xc2: {  	v57 =	vnsel vm0, $0xFF800000, v13;
	v38 =	vnsel vm0, $0xFF800000, v11;
	vm0 =	vlt.u32 v23, $0x2;
	v23 =	vld [tilespmem:s25+$0x200];
	[tilespmem:$0x1FFB0] =	vst v1  }
0xc3: {  	s18 =	sor.u32 s26, s23;
	v3 =	vimm.s32 $0x0;
	vm4 =	vgt.f32 v28, v27;
	v26 =	vld [tilespmem:s25+$0x280]  }
0xc4: {  	v59 =	vsel vm2, $0x1, v0;
	v61 =	vsel vm1, $0x1, v0;
	v13 =	vsel vm4, v28, v27;
	v14 =	vld [tilespmem:s18+$0x0]  }
0xc5: {  	v44 =	vmax.f32 v35, v36;
	v47 =	vmax.f32 v24, v30;
	vm5 =	vgt.f32 v57, v13;
	v43 =	vld [tilespmem:s18+$0x80]  }
0xc6: {  	v49 =	vmax.f32 v41, v42;
	v50 =	vmax.f32 v33, v34;
	v11 =	vsel vm5, v57, v13;
	v37 =	vld [tilespmem:s18+$0x100]  }
0xc7: {  	v13 =	vsel vm3, $0x1, v0;
	v2 =	vnsel vm0, $0xFF800000, v2;
	v39 =	vld [tilespmem:s18+$0x180];
	vm3 =	vgt.f32 v38, v11  }
0xc8: {  	v62 =	vnsel vm0, $0xFF800000, v46;
	v31 =	vld [tilespmem:s18+$0x200];
	v13 =	vadd.s32 v59, v13;
	v60 =	vsel vm3, v38, v11  }
0xc9: {  	v32 =	vld [tilespmem:s18+$0x280];
	v48 =	vmax.f32 v6, v12;
	v13 =	vadd.s32 v61, v13;
	vm1 =	vgt.f32 v2, v60  }
0xca: {  	vm0 =	vlt.u32 v13, $0x2;
	v13 =	vsel vm4, $0x1, v0;
	vm4 =	vge.f32 v44, v47  }
0xcb: {  	v63 =	vsel vm1, v2, v60;
	v20 =	vnsel vm0, $0xFF800000, v20;
	v13 =	vsel vm5, $0x2, v13  }
0xcc: {  	v45 =	vnsel vm0, $0xFF800000, v21;
	vm2 =	vgt.f32 v62, v63;
	v13 =	vsel vm3, $0x3, v13  }
0xcd: {  	v51 =	vmax.f32 v23, v26;
	v52 =	vmax.f32 v14, v43;
	v54 =	vmax.f32 v37, v39  }
0xce: {  	v55 =	vmax.f32 v31, v32;
	v22 =	vsel vm2, v62, v63;
	v13 =	vsel vm1, $0x4, v13  }
0xcf: {  	vm6 =	vge.f32 v49, v51;
	vm12 =	vge.f32 v52, v54;
	vm5 =	vgt.f32 v20, v22  }
0xd0: {  	vm10 =	vge.f32 v52, v55;
	v13 =	vsel vm2, $0x5, v13;
	v46 =	vsel vm5, v20, v22  }
0xd1: {  	vm2 =	vge.f32 v44, v48;
	vm13 =	vmneg vm6;
	vm0 =	vgt.f32 v45, v46  }
0xd2: {  	vm14 =	vmneg vm12;
	v13 =	vsel vm5, $0x6, v13;
	vm7 =	vmneg vm0  }
0xd3: {  	vm15 =	vmneg vm10;
	v1 =	vnsel vm7, $0x7, v13;
	v61 =	vnsel vm7, $0xFF800000, v45  }
0xd4: {  	v8 =	vsel vm7, v46, v45;
	[tilespmem:$0x1FF20] =	vst v1;
	vm0 =	veq.s32 v1, $0x0;
	vm1 =	veq.s32 v1, $0x1  }
0xd5: {  	v46 =	vsel vm14, $0x1, v0;
	v25 =	vld [tilespmem:s24+$0x300];
	v27 =	vsel vm0, $0xFF800000, v27;
	v53 =	vsel vm1, $0xFF800000, v28  }
0xd6: {  	vm14 =	vge.f32 v54, v55;
	v21 =	vld [tilespmem:s24+$0x380];
	vm0 =	veq.s32 v1, $0x2;
	vm1 =	vgt.f32 v53, v27  }
0xd7: {  	v56 =	vsel vm0, $0xFF800000, v57;
	vm0 =	veq.s32 v1, $0x3;
	v53 =	vsel vm1, v53, v27  }
0xd8: {  	v3 =	vsel vm1, $0xFFFFFFFF, v3;
	v38 =	vsel vm0, $0xFF800000, v38;
	vm1 =	vgt.f32 v56, v53  }
0xd9: {  	v28 =	vld [tilespmem:s25+$0x300];
	vm0 =	veq.s32 v1, $0x4;
	[tilespmem:$0x1FD50] =	vst v3;
	v3 =	vimm.s32 $0x0;
	v53 =	vsel vm1, v56, v53  }
0xda: {  	v22 =	vld [tilespmem:s25+$0x380];
	v3 =	vsel vm1, $0xFFFFFFFF, v3;
	vm1 =	vge.f32 v49, v50;
	vm3 =	vgt.f32 v38, v53  }
0xdb: {  	v29 =	vld [tilespmem:s18+$0x300];
	[tilespmem:$0x1FD60] =	vst v3;
	v3 =	vimm.s32 $0x0;
	v57 =	vmax.f32 v25, v21;
	vm11 =	vmneg vm1  }
0xdc: {  	v3 =	vsel vm3, $0xFFFFFFFF, v3;
	vm9 =	vge.f32 v44, v57;
	v45 =	vsel vm11, $0x1, v0  }
0xdd: {  	v27 =	vld [tilespmem:s18+$0x380];
	v53 =	vsel vm3, v38, v53;
	[tilespmem:$0x1FD70] =	vst v3;
	v3 =	vsel vm0, $0xFF800000, v2;
	vm0 =	veq.s32 v1, $0x5  }
0xde: {  	v56 =	vsel vm0, $0xFF800000, v62;
	vm0 =	vmand vm5, vm7;
	vm5 =	vmneg vm2  }
0xdf: {  	v58 =	vmax.f32 v28, v22;
	v59 =	vsel vm0, $0xFF800000, v20;
	vm0 =	vmneg vm4  }
0xe0: {  	v44 =	vsel vm5, $0x1, v0;
	v20 =	vsel vm15, $0x1, v0;
	vm5 =	vmneg vm9  }
0xe1: {  	vm15 =	vge.f32 v47, v48;
	v40 =	vsel vm0, $0x1, v0;
	vm7 =	vge.f32 v49, v58  }
0xe2: {  	v1 =	vsel vm5, $0x1, v0;
	vm5 =	vmneg vm14;
	v46 =	vadd.s32 v46, v20  }
0xe3: {  	v60 =	vmax.f32 v29, v27;
	vm11 =	vmneg vm7;
	v5 =	vsel vm5, $0x1, v0  }
0xe4: {  	vm5 =	vmneg vm15;
	v40 =	vadd.s32 v40, v44;
	v44 =	vsel vm1, $0x1, v0  }
0xe5: {  	vm8 =	vge.f32 v52, v60;
	v52 =	vsel vm13, $0x1, v0;
	v2 =	vsel vm11, $0x1, v0  }
0xe6: {  	v38 =	vsel vm5, $0x1, v0;
	vm13 =	vge.f32 v47, v57;
	v47 =	vsel vm4, $0x1, v0  }
0xe7: {  	vm11 =	vge.f32 v50, v58;
	v1 =	vadd.s32 v1, v40;
	vm0 =	vmneg vm8  }
0xe8: {  	vm4 =	vmneg vm13;
	vm1 =	vmneg vm11;
	v63 =	vadd.s32 v45, v52  }
0xe9: {  	v62 =	vsel vm0, $0x1, v0;
	vm0 =	vge.f32 v50, v51;
	v50 =	vsel vm12, $0x1, v0  }
0xea: {  	vm12 =	vge.f32 v54, v60;
	v20 =	vsel vm4, $0x1, v0;
	v4 =	vsel vm1, $0x1, v0  }
0xeb: {  	v2 =	vadd.s32 v2, v63;
	vm5 =	vmneg vm0;
	vm1 =	vmneg vm12  }
0xec: {  	v49 =	vsel vm5, $0x1, v0;
	v52 =	vsel vm1, $0x1, v0;
	vm1 =	vlt.u32 v1, $0x2  }
0xed: {  	v1 =	vadd.s32 v62, v46;
	v46 =	vsel vm6, $0x1, v0;
	v40 =	vnsel vm1, $0xFF800000, v35  }
0xee: {  	v45 =	vnsel vm1, $0xFF800000, v36;
	vm1 =	vlt.u32 v2, $0x2;
	v2 =	vadd.f32 v17, v15  }
0xef: {  	v35 =	vnsel vm1, $0xFF800000, v41;
	v36 =	vnsel vm1, $0xFF800000, v42;
	vm1 =	vlt.u32 v1, $0x2  }
0xf0: {  	v1 =	vimm.s32 $0x0;
	v42 =	vnsel vm1, $0xFF800000, v14;
	v41 =	vnsel vm1, $0xFF800000, v43  }
0xf1: {  	vm1 =	vgt.f32 v3, v53;
	(erf) = vrcp.f32 v2;
	v14 =	vadd.s32 v47, v38  }
0xf2: {  	v38 =	vsel vm15, $0x1, v0;
	vm15 =	vge.f32 v48, v57;
	v47 =	vsel vm0, $0x1, v0  }
0xf3: {  	v48 =	vsel vm10, $0x1, v0;
	vm10 =	vgt.f32 v36, v35;
	v1 =	vsel vm1, $0xFFFFFFFF, v1  }
0xf4: {  	v2 =	vsel vm1, v3, v53;
	v3 =	vsel vm2, $0x1, v0;
	v14 =	vadd.s32 v20, v14  }
0xf5: {  	vm2 =	vge.f32 v51, v58;
	vm1 =	vge.f32 v55, v60;
	vm0 =	vmneg vm15  }
0xf6: {  	v51 =	vsel vm14, $0x1, v0;
	v58 =	vsel vm12, $0x1, v0;
	v46 =	vadd.s32 v47, v46  }
0xf7: {  	v60 =	vsel vm15, $0x1, v0;
	[tilespmem:$0x1FD80] =	vst v1;
	v1 =	vadd.f32 v16, v7;
	vm5 =	vgt.f32 v56, v2  }
0xf8: {  	vm6 =	vmneg vm2;
	v53 =	vsel vm0, $0x1, v0;
	vm0 =	vmneg vm1  }
0xf9: {  	v3 =	vadd.s32 v38, v3;
	v62 =	vsel vm1, $0x1, v0;
	v2 =	vsel vm5, v56, v2  }
0xfa: {  	v54 =	vsel vm6, $0x1, v0;
	v20 =	vsel vm0, $0x1, v0;
	vm0 =	vlt.u32 v14, $0x2  }
0xfb: {  	v14 =	vadd.s32 v44, v49;
	v56 =	vsel vm10, v36, v35;
	v49 =	vsel vm7, $0x1, v0  }
0xfc: {  	v3 =	vadd.s32 v53, v3;
	vm6 =	vgt.f32 v59, v2;
	v43 =	vnsel vm0, $0xFF800000, v24  }
0xfd: {  	v30 =	vnsel vm0, $0xFF800000, v30;
	v4 =	vadd.s32 v4, v14;
	(erf) = vrcp.f32 v1  }
0xfe: {  	v1 =	vsel vm9, $0x1, v0;
	vm9 =	vgt.f32 v45, v40;
	v46 =	vadd.s32 v54, v46  }
0xff: {  	vm1 =	vlt.u32 v3, $0x2;
	v2 =	vsel vm6, v59, v2;
	vm0 =	vlt.u32 v4, $0x2  }
0x100: {  	v24 =	vsel vm9, v45, v40;
	v59 =	vadd.s32 v51, v48;
	v3 =	vnsel vm1, $0xFF800000, v6  }
0x101: {  	v6 =	vnsel vm1, $0xFF800000, v12;
	vm1 =	vlt.u32 v46, $0x2;
	v55 =	vsel vm9, $0x1, v0  }
0x102: {  	vm14 =	vgt.f32 v61, v2;
	v14 =	vnsel vm0, $0xFF800000, v33;
	v38 =	vadd.s32 v20, v59  }
0x103: {  	v12 =	vnsel vm1, $0xFF800000, v23;
	v23 =	vnsel vm1, $0xFF800000, v26;
	v63 =	vsel vm14, v61, v2  }
0x104: {  	v2 =	vadd.s32 v50, v5;
	v50 =	vsel vm11, $0x1, v0;
	vm7 =	vgt.f32 v14, v56  }
0x105: {  	v61 =	vsel vm2, $0x1, v0;
	vm1 =	vlt.u32 v38, $0x2;
	v4 =	vadd.f32 v63, v8  }
0x106: {  	v5 =	vadd.s32 v52, v2;
	v2 =	vnsel vm0, $0xFF800000, v34;
	v34 =	vsel vm8, $0x1, v0  }
0x107: {  	v26 =	vnsel vm1, $0xFF800000, v31;
	v31 =	vnsel vm1, $0xFF800000, v32;
	vm0 =	vlt.u32 v5, $0x2  }
0x108: {  	v34 =	vadd.s32 v58, v34;
	v5 =	vnsel vm0, $0xFF800000, v37;
	v33 =	vnsel vm0, $0xFF800000, v39  }
0x109: {  	(erf) = vrcp.f32 v4;
	v4 =	vsel vm13, $0x1, v0;
	vm13 =	vgt.f32 v41, v42  }
0x10a: {  	vm0 =	vgt.f32 v43, v24;
	v39 =	vsel vm7, v14, v56;
	v56 =	vsel vm10, $0x1, v0  }
0x10b: {  	v34 =	vadd.s32 v62, v34;
	v57 =	vsel vm13, v41, v42;
	v37 =	vsel vm0, v43, v24  }
0x10c: {  	vm2 =	vgt.f32 v2, v39;
	v1 =	vadd.s32 v4, v1;
	v4 =	vadd.s32 v50, v49  }
0x10d: {  	vm8 =	vgt.f32 v5, v57;
	vm11 =	vgt.f32 v30, v37;
	v53 =	vsel vm2, v2, v39  }
0x10e: {  	v1 =	vadd.s32 v60, v1;
	v4 =	vadd.s32 v61, v4;
	v39 =	vsel vm0, $0x2, v55  }
0x10f: {  	v44 =	vsel vm8, v5, v57;
	v24 =	vsel vm11, v30, v37;
	vm10 =	vgt.f32 v12, v53  }
0x110: {  	v57 =	vsel vm13, $0x1, v0;
	v39 =	vsel vm11, $0x3, v39;
	vm11 =	vlt.u32 v1, $0x2  }
0x111: {  	vm1 =	vgt.f32 v33, v44;
	vm9 =	vgt.f32 v3, v24;
	v37 =	vsel vm10, v12, v53  }
0x112: {  	v46 =	vsel vm8, $0x2, v57;
	v25 =	vnsel vm11, $0xFF800000, v25;
	v61 =	vnsel vm11, $0xFF800000, v21  }
0x113: {  	v54 =	vsel vm1, v33, v44;
	v32 =	vsel vm9, v3, v24;
	v44 =	vsel vm7, $0x2, v56  }
0x114: {  	vm13 =	vgt.f32 v23, v37;
	v60 =	vsel vm9, $0x4, v39;
	vm12 =	vgt.f32 v26, v54  }
0x115: {  	vm0 =	vgt.f32 v6, v32;
	v1 =	vsel vm2, $0x3, v44;
	vm2 =	vlt.u32 v4, $0x2  }
0x116: {  	v4 =	vsel vm1, $0x3, v46;
	vm1 =	vlt.u32 v34, $0x2;
	v58 =	vsel vm13, v23, v37  }
0x117: {  	v38 =	vsel vm12, v26, v54;
	v32 =	vsel vm0, v6, v32;
	v28 =	vnsel vm2, $0xFF800000, v28  }
0x118: {  	v29 =	vnsel vm1, $0xFF800000, v29;
	v1 =	vsel vm10, $0x4, v1;
	v4 =	vsel vm12, $0x4, v4  }
0x119: {  	v62 =	vnsel vm2, $0xFF800000, v22;
	v27 =	vnsel vm1, $0xFF800000, v27;
	v48 =	vsel vm0, $0x5, v60  }
0x11a: {  	vm8 =	vgt.f32 v31, v38;
	vm9 =	vgt.f32 v25, v32;
	vm10 =	vgt.f32 v28, v58  }
0x11b: {  	v1 =	vsel vm13, $0x5, v1;
	v59 =	vsel vm8, v31, v38;
	v32 =	vsel vm9, v25, v32  }
0x11c: {  	v34 =	vsel vm10, v28, v58;
	v4 =	vsel vm8, $0x5, v4;
	v21 =	vsel vm9, $0x6, v48  }
0x11d: {  	v1 =	vsel vm10, $0x6, v1;
	vm7 =	vgt.f32 v29, v59;
	vm1 =	vgt.f32 v61, v32  }
0x11e: {  	vm2 =	vgt.f32 v62, v34;
	v37 =	vsel vm7, v29, v59;
	vm12 =	vmneg vm1  }
0x11f: {  	vm11 =	vmneg vm2;
	v4 =	vsel vm7, $0x6, v4;
	vm15 =	vgt.f32 v27, v37  }
0x120: {  	v24 =	vnsel vm12, $0x7, v21;
	v52 =	vnsel vm11, $0x7, v1;
	vm4 =	vmand vm10, vm11  }
0x121: {  	v58 =	vnsel vm12, $0xFF800000, v61;
	v7 =	vsel vm12, v32, v61;
	v59 =	vnsel vm11, $0xFF800000, v62  }
0x122: {  	[tilespmem:$0x1FE30] =	vst v8;
	v8 =	vsel vm11, v34, v62;
	vm8 =	vmneg vm15;
	vm0 =	veq.s32 v24, $0x0  }
0x123: {  	vm1 =	veq.s32 v24, $0x1;
	v28 =	vsel vm4, $0xFF800000, v28;
	v1 =	vnsel vm8, $0x7, v4  }
0x124: {  	v4 =	vsel vm0, $0xFF800000, v40;
	vm0 =	veq.s32 v52, $0x0;
	v49 =	vsel vm1, $0xFF800000, v45  }
0x125: {  	vm1 =	veq.s32 v52, $0x1;
	v32 =	vnsel vm8, $0xFF800000, v27;
	vm2 =	veq.s32 v1, $0x0  }
0x126: {  	v35 =	vsel vm0, $0xFF800000, v35;
	v36 =	vsel vm1, $0xFF800000, v36;
	vm3 =	vgt.f32 v49, v4  }
0x127: {  	vm1 =	veq.s32 v24, $0x2;
	v50 =	vsel vm2, $0xFF800000, v42;
	vm2 =	veq.s32 v1, $0x1  }
0x128: {  	v51 =	vsel vm1, $0xFF800000, v43;
	vm1 =	veq.s32 v1, $0x2;
	v4 =	vsel vm3, v49, v4  }
0x129: {  	v41 =	vsel vm2, $0xFF800000, v41;
	vm2 =	veq.s32 v52, $0x2;
	v5 =	vsel vm1, $0xFF800000, v5  }
0x12a: {  	vm1 =	veq.s32 v24, $0x3;
	vm10 =	vgt.f32 v51, v4;
	v14 =	vsel vm2, $0xFF800000, v14  }
0x12b: {  	vm2 =	veq.s32 v52, $0x3;
	v53 =	vsel vm1, $0xFF800000, v30;
	vm1 =	veq.s32 v1, $0x3  }
0x12c: {  	vm0 =	vgt.f32 v41, v50;
	v4 =	vsel vm10, v51, v4;
	v2 =	vsel vm2, $0xFF800000, v2  }
0x12d: {  	v33 =	vsel vm1, $0xFF800000, v33;
	vm1 =	veq.s32 v24, $0x4;
	vm2 =	veq.s32 v52, $0x4  }
0x12e: {  	v57 =	vsel vm0, v41, v50;
	v61 =	vsel vm0, $0x1, v0;
	v3 =	vsel vm1, $0xFF800000, v3  }
0x12f: {  	vm1 =	veq.s32 v1, $0x4;
	v12 =	vsel vm2, $0xFF800000, v12;
	vm2 =	veq.s32 v52, $0x5  }
0x130: {  	vm15 =	vgt.f32 v5, v57;
	v26 =	vsel vm1, $0xFF800000, v26;
	vm1 =	veq.s32 v24, $0x5  }
0x131: {  	v54 =	vsel vm2, $0xFF800000, v23;
	vm2 =	vgt.f32 v36, v35;
	v5 =	vsel vm15, v5, v57  }
0x132: {  	v6 =	vsel vm1, $0xFF800000, v6;
	vm1 =	veq.s32 v1, $0x5;
	v56 =	vsel vm2, v36, v35  }
0x133: {  	vm4 =	vgt.f32 v33, v5;
	v60 =	vsel vm2, $0x1, v0;
	v55 =	vsel vm1, $0xFF800000, v31  }
0x134: {  	vm1 =	vmand vm9, vm12;
	vm13 =	vgt.f32 v14, v56;
	vm9 =	vgt.f32 v53, v4  }
0x135: {  	v31 =	vsel vm8, v37, v27;
	v5 =	vsel vm4, v33, v5;
	v25 =	vsel vm1, $0xFF800000, v25  }
0x136: {  	vm1 =	vmand vm7, vm8;
	v14 =	vsel vm13, v14, v56;
	v4 =	vsel vm9, v53, v4  }
0x137: {  	s23 =	simm.s32 $0x80;
	vm8 =	vgt.f32 v26, v5;
	v29 =	vsel vm1, $0xFF800000, v29;
	vm7 =	vgt.f32 v2, v14  }
0x138: {  	s28 =	sand.u32 $0x40, s23;
	s18 =	simm.s32 $0x400;
	[tilespmem:$0x1FE70] =	vst v7;
	vm1 =	vgt.f32 v3, v4;
	v2 =	vsel vm7, v2, v14;
	v14 =	vsel vm3, $0x1, v0  }
0x139: {  	s24 =	sor.u32 $0x30, s28;
	v9 =	vld [tilespmem:$0x1FD60];
	s29 =	sand.u32 $0x1C00, s18;
	[tilespmem:$0x1FE80] =	vst v8;
	v3 =	vsel vm1, v3, v4;
	v4 =	vsel vm8, v26, v5;
	vm2 =	vgt.f32 v12, v2  }
0x13a: {  	s30 =	sor.u32 s24, s29;
	[tilespmem:$0x1FF40] =	vst v31;
	v5 =	vld [tilespmem:$0x1FD50];
	vm3 =	vgt.f32 v6, v3;
	vm12 =	vgt.f32 v55, v4;
	v2 =	vsel vm2, v12, v2  }
0x13b: {  	v27 =	vld [tilespmem:s30+$0x300];
	v12 =	vsel vm10, $0x2, v14;
	v3 =	vsel vm3, v6, v3;
	v6 =	vsel vm13, $0x2, v60  }
0x13c: {  	v47 =	vld [tilespmem:s30+$0x380];
	v14 =	vsel vm15, $0x2, v61;
	v4 =	vsel vm12, v55, v4;
	vm11 =	vgt.f32 v25, v3  }
0x13d: {  	v22 =	vld [tilespmem:s30+$0x100];
	vm10 =	vgt.f32 v54, v2;
	v62 =	vsel vm9, $0x3, v12;
	v3 =	vsel vm11, v25, v3  }
0x13e: {  	v23 =	vld [tilespmem:s30+$0x180];
	v6 =	vsel vm7, $0x3, v6;
	v14 =	vsel vm4, $0x3, v14;
	vm9 =	vgt.f32 v58, v3  }
0x13f: {  	v2 =	vsel vm10, v54, v2;
	vm0 =	vnez.u8 v5;
	v33 =	vsel vm9, v58, v3  }
0x140: {  	v5 =	vsel vm0, $0x1, v0;
	vm0 =	vnez.u8 v9;
	v21 =	vadd.f32 v33, v7;
	v7 =	vld [tilespmem:$0x1FD70]  }
0x141: {  	v20 =	vld [tilespmem:s30+$0x0];
	v25 =	vsel vm1, $0x4, v62;
	v5 =	vsel vm0, $0x2, v5;
	vm0 =	vgt.f32 v28, v2  }
0x142: {  	v6 =	vsel vm2, $0x4, v6;
	v14 =	vsel vm8, $0x4, v14;
	v3 =	vld [tilespmem:s30+$0x80];
	v2 =	vsel vm0, v28, v2  }
0x143: {  	v44 =	vmax.f32 v27, v47;
	v46 =	vmax.f32 v22, v23;
	vm7 =	vgt.f32 v59, v2  }
0x144: {  	v25 =	vsel vm3, $0x5, v25;
	v14 =	vsel vm12, $0x5, v14;
	v34 =	vsel vm7, v59, v2  }
0x145: {  	v6 =	vsel vm10, $0x5, v6;
	vm13 =	vnez.u8 v7;
	v7 =	vadd.f32 v34, v8;
	v8 =	vld [tilespmem:$0x1FD80]  }
0x146: {  	v25 =	vsel vm11, $0x6, v25;
	v2 =	vld [tilespmem:s30+$0x200];
	v5 =	vsel vm13, $0x3, v5;
	vm13 =	vgt.f32 v29, v4  }
0x147: {  	v6 =	vsel vm0, $0x6, v6;
	v45 =	vmax.f32 v20, v3;
	v42 =	vsel vm13, v29, v4;
	v4 =	vld [tilespmem:s30+$0x280]  }
0x148: {  	vm0 =	vge.f32 v46, v44;
	(erf) = vrcp.f32 v21;
	vm2 =	vge.f32 v45, v44  }
0x149: {  	v62 =	vsel vm0, $0x1, v0;
	v6 =	vsel vm7, $0x7, v6;
	v61 =	vsel vm2, $0x1, v0  }
0x14a: {  	v29 =	vadd.s32 v62, v61;
	vm1 =	vnez.u8 v8;
	v8 =	vsel vm13, $0x6, v14  }
0x14b: {  	(erf) = vrcp.f32 v7;
	v5 =	vsel vm1, $0x4, v5;
	[tilespmem:$0x1FEE0] =	vst v8;
	v8 =	vsel vm9, $0x7, v25  }
0x14c: {  	v5 =	vsel vm5, $0x5, v5;
	v14 =	vmax.f32 v2, v4;
	vm5 =	vge.f32 v45, v46  }
0x14d: {  	s25 =	sor.u32 $0x10, s28;
	v5 =	vsel vm6, $0x6, v5;
	vm1 =	vge.f32 v14, v44;
	vm3 =	vge.f32 v45, v14  }
0x14e: {  	s30 =	sor.u32 s25, s29;
	[tilespmem:$0x1FFC0] =	vst v8;
	vm4 =	vge.f32 v46, v14;
	vm6 =	vmneg vm5;
	v14 =	vsel vm5, $0x1, v0  }
0x14f: {  	v41 =	vld [tilespmem:s30+$0x0];
	vm5 =	vmneg vm3;
	v48 =	vsel vm6, $0x1, v0;
	v54 =	vsel vm3, $0x1, v0  }
0x150: {  	v46 =	vld [tilespmem:s30+$0x80];
	v55 =	vsel vm4, $0x1, v0;
	v49 =	vsel vm5, $0x1, v0;
	vm5 =	vmneg vm2  }
0x151: {  	v45 =	vld [tilespmem:s30+$0x100];
	v5 =	vsel vm14, $0x7, v5;
	v50 =	vsel vm5, $0x1, v0;
	vm5 =	vmneg vm4  }
0x152: {  	v58 =	vld [tilespmem:s30+$0x180];
	v35 =	vadd.s32 v48, v49;
	v51 =	vsel vm5, $0x1, v0;
	vm5 =	vmneg vm0  }
0x153: {  	v59 =	vld [tilespmem:s30+$0x200];
	v35 =	vadd.s32 v50, v35;
	v14 =	vadd.s32 v14, v51;
	v53 =	vsel vm5, $0x1, v0  }
0x154: {  	v43 =	vld [tilespmem:s30+$0x300];
	vm5 =	vlt.u32 v35, $0x2;
	v35 =	vadd.s32 v55, v54;
	v14 =	vadd.s32 v53, v14  }
0x155: {  	s26 =	sor.u32 $0x20, s28;
	v44 =	vld [tilespmem:s30+$0x380];
	v48 =	vnsel vm5, $0xFF800000, v20;
	v3 =	vnsel vm5, $0xFF800000, v3;
	vm5 =	vmneg vm1  }
0x156: {  	s31 =	sor.u32 s26, s29;
	v60 =	vld [tilespmem:s30+$0x280];
	v20 =	vsel vm1, $0x1, v0;
	vm3 =	vlt.u32 v14, $0x2;
	vm4 =	vgt.f32 v3, v48  }
0x157: {  	v39 =	vld [tilespmem:s31+$0x100];
	v57 =	vsel vm5, $0x1, v0;
	v29 =	vadd.s32 v20, v29;
	v14 =	vnsel vm3, $0xFF800000, v22  }
0x158: {  	v50 =	vld [tilespmem:s31+$0x0];
	v56 =	vsel vm4, v3, v48;
	v35 =	vadd.s32 v57, v35;
	v49 =	vnsel vm3, $0xFF800000, v23  }
0x159: {  	v51 =	vld [tilespmem:s31+$0x80];
	v21 =	vsel vm4, $0x1, v0;
	v23 =	vmax.f32 v41, v46;
	vm5 =	vgt.f32 v14, v56  }
0x15a: {  	v40 =	vld [tilespmem:s31+$0x180];
	v57 =	vmax.f32 v43, v44;
	vm2 =	vlt.u32 v35, $0x2;
	v28 =	vsel vm5, v14, v56  }
0x15b: {  	v8 =	vld [tilespmem:s31+$0x300];
	v35 =	vmax.f32 v45, v58;
	v2 =	vnsel vm2, $0xFF800000, v2;
	vm3 =	vgt.f32 v49, v28  }
0x15c: {  	v4 =	vnsel vm2, $0xFF800000, v4;
	vm2 =	vlt.u32 v29, $0x2;
	v28 =	vsel vm3, v49, v28  }
0x15d: {  	v22 =	vsel vm5, $0x2, v21;
	v56 =	vmax.f32 v59, v60;
	vm1 =	vgt.f32 v2, v28  }
0x15e: {  	v37 =	vld [tilespmem:s31+$0x200];
	vm13 =	vge.f32 v23, v35;
	v20 =	vmax.f32 v50, v51;
	v28 =	vsel vm1, v2, v28  }
0x15f: {  	v38 =	vld [tilespmem:s31+$0x280];
	v21 =	vmax.f32 v39, v40;
	v61 =	vnsel vm2, $0xFF800000, v27;
	vm4 =	vgt.f32 v4, v28  }
0x160: {  	[tilespmem:$0x1FEA0] =	vst v8;
	v62 =	vnsel vm2, $0xFF800000, v47;
	vm12 =	vge.f32 v23, v56;
	v28 =	vsel vm4, v4, v28  }
0x161: {  	v36 =	vld [tilespmem:s31+$0x380];
	vm11 =	vge.f32 v35, v56;
	v27 =	vsel vm3, $0x3, v22;
	vm0 =	vgt.f32 v61, v28  }
0x162: {  	vm2 =	vge.f32 v56, v57;
	v27 =	vsel vm1, $0x4, v27;
	v12 =	vsel vm0, v61, v28  }
0x163: {  	vm10 =	vge.f32 v20, v21;
	v27 =	vsel vm4, $0x5, v27;
	vm5 =	vgt.f32 v62, v12  }
0x164: {  	s28 =	sor.u32 s28, s29;
	v22 =	vmax.f32 v37, v38;
	v27 =	vsel vm0, $0x6, v27;
	vm5 =	vmneg vm5  }
0x165: {  	v54 =	vld [tilespmem:s28+$0x0];
	vm3 =	vge.f32 v35, v57;
	vm9 =	vge.f32 v20, v22;
	v27 =	vnsel vm5, $0x7, v27  }
0x166: {  	vm4 =	vge.f32 v23, v57;
	v23 =	vmax.f32 v8, v36;
	v57 =	vld [tilespmem:s28+$0x80];
	[tilespmem:$0x1FFE0] =	vst v6;
	vm15 =	veq.s32 v27, $0x0  }
0x167: {  	vm1 =	vge.f32 v20, v23;
	v55 =	vld [tilespmem:s28+$0x100];
	[tilespmem:$0x1FFF0] =	vst v5;
	vm14 =	veq.s32 v27, $0x1;
	v5 =	vsel vm15, $0xFF800000, v48  }
0x168: {  	v56 =	vld [tilespmem:s28+$0x180];
	v3 =	vsel vm14, $0xFF800000, v3;
	vm14 =	veq.s32 v27, $0x2;
	vm15 =	veq.s32 v27, $0x3  }
0x169: {  	v11 =	vsel vm14, $0xFF800000, v14;
	v13 =	vsel vm15, $0xFF800000, v49;
	vm14 =	veq.s32 v27, $0x4  }
0x16a: {  	vm15 =	vgt.f32 v3, v5;
	v26 =	vsel vm14, $0xFF800000, v2;
	v2 =	vimm.s32 $0x0  }
0x16b: {  	vm8 =	vge.f32 v21, v23;
	vm7 =	vge.f32 v22, v23;
	v2 =	vsel vm15, $0xFFFFFFFF, v2  }
0x16c: {  	v23 =	vld [tilespmem:s28+$0x200];
	v12 =	vsel vm5, v12, v62;
	v62 =	vnsel vm5, $0xFF800000, v62;
	vm14 =	veq.s32 v27, $0x5;
	[tilespmem:$0x1FD90] =	vst v2  }
0x16d: {  	v7 =	vmax.f32 v55, v56;
	v10 =	vsel vm15, v3, v5;
	v15 =	vsel vm14, $0xFF800000, v4;
	v53 =	vld [tilespmem:s28+$0x280]  }
0x16e: {  	vm14 =	vmand vm0, vm5;
	v4 =	vmax.f32 v54, v57;
	vm5 =	vmneg vm12;
	v28 =	vld [tilespmem:s28+$0x300]  }
0x16f: {  	vm15 =	vmneg vm11;
	vm0 =	vge.f32 v4, v7;
	v16 =	vsel vm14, $0xFF800000, v61;
	v48 =	vld [tilespmem:s28+$0x380]  }
0x170: {  	vm14 =	vmneg vm13;
	v30 =	vsel vm5, $0x1, v0;
	vm5 =	vmneg vm9  }
0x171: {  	v14 =	vsel vm14, $0x1, v0;
	vm14 =	vmneg vm10;
	v5 =	vsel vm5, $0x1, v0  }
0x172: {  	vm5 =	vmneg vm1;
	v35 =	vsel vm14, $0x1, v0;
	vm14 =	vmneg vm4  }
0x173: {  	v6 =	vsel vm15, $0x1, v0;
	v3 =	vsel vm5, $0x1, v0;
	v2 =	vsel vm14, $0x1, v0  }
0x174: {  	v5 =	vadd.s32 v35, v5;
	v9 =	vmax.f32 v23, v53;
	v8 =	vmax.f32 v28, v48  }
0x175: {  	vm14 =	vge.f32 v4, v9;
	vm5 =	vge.f32 v4, v8;
	v4 =	vadd.s32 v14, v30  }
0x176: {  	v2 =	vadd.s32 v2, v4;
	v4 =	vsel vm13, $0x1, v0;
	vm13 =	vmneg vm3  }
0x177: {  	vm15 =	vgt.f32 v11, v10;
	v3 =	vadd.s32 v3, v5;
	v5 =	vsel vm13, $0x1, v0  }
0x178: {  	vm13 =	vlt.u32 v2, $0x2;
	v2 =	vsel vm12, $0x1, v0;
	vm12 =	vlt.u32 v3, $0x2  }
0x179: {  	v3 =	vadd.s32 v4, v6;
	v4 =	vsel vm11, $0x1, v0;
	vm11 =	vmneg vm2  }
0x17a: {  	v3 =	vadd.s32 v5, v3;
	v5 =	vsel vm11, $0x1, v0;
	v2 =	vadd.s32 v4, v2  }
0x17b: {  	v61 =	vnsel vm13, $0xFF800000, v41;
	v14 =	vnsel vm13, $0xFF800000, v46;
	vm11 =	vlt.u32 v3, $0x2  }
0x17c: {  	v2 =	vadd.s32 v5, v2;
	v3 =	vsel vm15, v11, v10;
	v11 =	vsel vm10, $0x1, v0  }
0x17d: {  	vm13 =	vlt.u32 v2, $0x2;
	vm10 =	vgt.f32 v13, v3;
	v2 =	vimm.s32 $0x0  }
0x17e: {  	v2 =	vsel vm10, $0xFFFFFFFF, v2  }
0x17f: {  	[tilespmem:$0x1FDA0] =	vst v2;
	v2 =	vld [tilespmem:$0x1FDB0];
	_ =	sdelay $0x3  }
0x180: {  	v4 =	vpop (erf)  }
0x181: {  	v3 =	vsel vm10, v13, v3;
	v13 =	vmul.f32 v4, v2;
	v2 =	vld [tilespmem:$0x1FDC0];
	_ =	sdelay $0x3  }
0x182: {  	v30 =	vsel vm9, $0x1, v0  }
0x183: {  	vm9 =	vgt.f32 v26, v3;
	v35 =	vmul.f32 v4, v2;
	v2 =	vimm.s32 $0x0  }
0x184: {  	v2 =	vsel vm9, $0xFFFFFFFF, v2  }
0x185: {  	[tilespmem:$0x1FDD0] =	vst v2;
	v2 =	vld [tilespmem:$0x1FDE0]  }
0x186: {  	v50 =	vnsel vm12, $0xFF800000, v50;
	v51 =	vnsel vm12, $0xFF800000, v51;
	vm12 =	vmneg vm0  }
0x187: {  	vm6 =	vge.f32 v21, v22;
	v22 =	vsel vm12, $0x1, v0;
	vm12 =	vge.f32 v7, v9  }
0x188: {  	v49 =	vnsel vm11, $0xFF800000, v45;
	v46 =	vnsel vm11, $0xFF800000, v58;
	vm11 =	vmneg vm14  }
0x189: {  	v18 =	vsel vm0, $0x1, v0;
	v58 =	vsel vm11, $0x1, v0;
	vm11 =	vmneg vm12;
	v47 =	vpop (erf)  }
0x18a: {  	v21 =	vsel vm11, $0x1, v0;
	vm11 =	vmneg vm6;
	v29 =	vmul.f32 v47, v2;
	v2 =	vld [tilespmem:$0x1FDF0]  }
0x18b: {  	vm0 =	vmneg vm8;
	v19 =	vsel vm11, $0x1, v0;
	vm11 =	vge.f32 v7, v8  }
0x18c: {  	v17 =	vsel vm0, $0x1, v0;
	vm0 =	vmneg vm11  }
0x18d: {  	v10 =	vsel vm0, $0x1, v0;
	vm0 =	vgt.f32 v32, v42  }
0x18e: {  	v7 =	vsel vm6, $0x1, v0;
	v4 =	vsel vm0, v32, v42;
	v42 =	vsel vm9, v26, v3  }
0x18f: {  	vm6 =	vgt.f32 v15, v42;
	v20 =	vmul.f32 v47, v2;
	v2 =	vimm.s32 $0x0  }
0x190: {  	v2 =	vsel vm6, $0xFFFFFFFF, v2  }
0x191: {  	[tilespmem:$0x1FE00] =	vst v2;
	v2 =	vld [tilespmem:$0x1FE10];
	_ =	sdelay $0x3  }
0x192: {  	v41 =	vnsel vm13, $0xFF800000, v60;
	v60 =	vpop (erf)  }
0x193: {  	v47 =	vmul.f32 v60, v2;
	v2 =	vld [tilespmem:$0x1FE20];
	_ =	sdelay $0x4  }
0x194: {  	v60 =	vmul.f32 v60, v2;
	v2 =	vld [tilespmem:$0x1FE30];
	_ =	sdelay $0x1  }
0x195: {  	v15 =	vsel vm6, v15, v42;
	v42 =	vadd.f32 v4, v31  }
0x196: {  	v6 =	vsel vm14, $0x1, v0;
	v31 =	vpop (erf);
	vm14 =	vgt.f32 v16, v15  }
0x197: {  	(erf) = vrcp.f32 v42;
	v15 =	vsel vm14, v16, v15;
	v16 =	vpop (erf)  }
0x198: {  	v42 =	vmul.f32 v16, v63;
	v16 =	vmul.f32 v16, v2;
	v2 =	vld [tilespmem:$0x1FE40];
	_ =	sdelay $0x4  }
0x199: {  	v63 =	vmul.f32 v31, v2;
	v2 =	vld [tilespmem:$0x1FE50];
	_ =	sdelay $0x2  }
0x19a: {  	vm6 =	vmneg vm7  }
0x19b: {  	v5 =	vsel vm6, $0x1, v0  }
0x19c: {  	vm6 =	vgt.f32 v62, v15;
	v25 =	vmul.f32 v31, v2;
	v2 =	vimm.s32 $0x0  }
0x19d: {  	v2 =	vsel vm6, $0xFFFFFFFF, v2  }
0x19e: {  	[tilespmem:$0x1FE60] =	vst v2;
	v2 =	vld [tilespmem:$0x1FE70];
	_ =	sdelay $0x1  }
0x19f: {  	v45 =	vnsel vm13, $0xFF800000, v59;
	vm13 =	vmneg vm5  }
0x1a0: {  	v59 =	vsel vm13, $0x1, v0;
	v18 =	vadd.s32 v18, v21;
	v11 =	vadd.s32 v11, v19  }
0x1a1: {  	v7 =	vadd.s32 v7, v30;
	v11 =	vadd.s32 v17, v11;
	v32 =	vsel vm6, v62, v15;
	v15 =	vpop (erf)  }
0x1a2: {  	v62 =	vmul.f32 v15, v2;
	v2 =	vsel vm4, $0x1, v0;
	vm4 =	vge.f32 v9, v8;
	v9 =	vld [tilespmem:$0x1FE80]  }
0x1a3: {  	v17 =	vsel vm2, $0x1, v0;
	v10 =	vadd.s32 v10, v18;
	v3 =	vsel vm12, $0x1, v0  }
0x1a4: {  	v3 =	vadd.s32 v3, v6;
	vm9 =	vlt.u32 v11, $0x2;
	v11 =	vsel vm5, $0x1, v0  }
0x1a5: {  	vm5 =	vlt.u32 v10, $0x2;
	v10 =	vsel vm8, $0x1, v0;
	v31 =	vadd.f32 v32, v12  }
0x1a6: {  	v5 =	vadd.s32 v5, v7;
	v26 =	vpop (erf);
	v8 =	vmul.f32 v15, v33;
	v15 =	vadd.s32 v22, v58  }
0x1a7: {  	(erf) = vrcp.f32 v31;
	v15 =	vadd.s32 v59, v15;
	v9 =	vmul.f32 v26, v9  }
0x1a8: {  	v26 =	vmul.f32 v26, v34;
	v34 =	vsel vm3, $0x1, v0;
	vm3 =	vgt.f32 v14, v61  }
0x1a9: {  	vm6 =	vlt.u32 v15, $0x2;
	v15 =	vimm.s32 $0x0;
	v19 =	vsel vm3, v14, v61  }
0x1aa: {  	v18 =	vsel vm3, $0x1, v0;
	v2 =	vadd.s32 v34, v2;
	vm2 =	vgt.f32 v49, v19  }
0x1ab: {  	v2 =	vadd.s32 v17, v2;
	v17 =	vnsel vm5, $0xFF800000, v55;
	v6 =	vsel vm2, v49, v19  }
0x1ac: {  	v7 =	vsel vm2, $0x2, v18;
	v18 =	vnsel vm9, $0xFF800000, v40;
	vm3 =	vgt.f32 v46, v6  }
0x1ad: {  	v6 =	vsel vm3, v46, v6;
	v7 =	vsel vm3, $0x3, v7;
	vm3 =	vlt.u32 v2, $0x2  }
0x1ae: {  	v19 =	vnsel vm5, $0xFF800000, v56;
	vm2 =	vgt.f32 v45, v6;
	v33 =	vnsel vm3, $0xFF800000, v43  }
0x1af: {  	v2 =	vsel vm2, v45, v6;
	v6 =	vsel vm2, $0x4, v7;
	vm2 =	vmneg vm4  }
0x1b0: {  	v31 =	vnsel vm3, $0xFF800000, v44;
	vm3 =	vlt.u32 v5, $0x2;
	v7 =	vsel vm2, $0x1, v0  }
0x1b1: {  	v3 =	vadd.s32 v7, v3;
	v7 =	vsel vm1, $0x1, v0;
	vm1 =	vgt.f32 v41, v2  }
0x1b2: {  	v58 =	vnsel vm3, $0xFF800000, v37;
	v22 =	vnsel vm3, $0xFF800000, v38;
	v2 =	vsel vm1, v41, v2  }
0x1b3: {  	v5 =	vadd.s32 v10, v7;
	v7 =	vsel vm11, $0x1, v0;
	v10 =	vnsel vm6, $0xFF800000, v54  }
0x1b4: {  	vm8 =	vlt.u32 v3, $0x2;
	v3 =	vsel vm7, $0x1, v0;
	vm2 =	vgt.f32 v33, v2  }
0x1b5: {  	v7 =	vadd.s32 v7, v11;
	v11 =	vnsel vm6, $0xFF800000, v57;
	v34 =	vsel vm2, v33, v2  }
0x1b6: {  	v3 =	vadd.s32 v3, v5;
	v2 =	vsel vm1, $0x5, v6;
	vm1 =	vgt.f32 v31, v34  }
0x1b7: {  	v5 =	vsel vm4, $0x1, v0;
	v2 =	vsel vm2, $0x6, v2;
	vm1 =	vmneg vm1  }
0x1b8: {  	v23 =	vnsel vm8, $0xFF800000, v23;
	v6 =	vnsel vm9, $0xFF800000, v39;
	v30 =	vnsel vm1, $0x7, v2  }
0x1b9: {  	v5 =	vadd.s32 v5, v7;
	vm5 =	veq.s32 v30, $0x0;
	vm6 =	veq.s32 v30, $0x1  }
0x1ba: {  	vm7 =	vlt.u32 v3, $0x2;
	v2 =	vsel vm5, $0xFF800000, v61;
	v14 =	vsel vm6, $0xFF800000, v14  }
0x1bb: {  	vm5 =	vgt.f32 v51, v50;
	vm6 =	vgt.f32 v11, v10;
	vm4 =	vgt.f32 v14, v2  }
0x1bc: {  	v7 =	vsel vm5, v51, v50;
	v39 =	vsel vm4, v14, v2;
	v2 =	vsel vm6, v11, v10  }
0x1bd: {  	v3 =	vsel vm5, $0x1, v0;
	v15 =	vsel vm4, $0xFFFFFFFF, v15;
	vm4 =	vgt.f32 v17, v2  }
0x1be: {  	vm5 =	vlt.u32 v5, $0x2;
	v5 =	vsel vm6, $0x1, v0;
	v2 =	vsel vm4, v17, v2  }
0x1bf: {  	v59 =	vnsel vm8, $0xFF800000, v53;
	v5 =	vsel vm4, $0x2, v5;
	vm4 =	vgt.f32 v19, v2  }
0x1c0: {  	vm3 =	vgt.f32 v6, v7;
	v28 =	vnsel vm5, $0xFF800000, v28;
	v2 =	vsel vm4, v19, v2  }
0x1c1: {  	v7 =	vsel vm3, v6, v7;
	v5 =	vsel vm4, $0x3, v5;
	vm4 =	vgt.f32 v23, v2  }
0x1c2: {  	v3 =	vsel vm3, $0x2, v3;
	vm3 =	vgt.f32 v18, v7;
	v2 =	vsel vm4, v23, v2  }
0x1c3: {  	s0 =	sand.u32 $0x380, s2;
	v7 =	vsel vm3, v18, v7;
	v5 =	vsel vm4, $0x4, v5;
	vm4 =	vgt.f32 v59, v2  }
0x1c4: {  	s15 =	sor.u32 s0, s15;
	[tilespmem:$0x1FE90] =	vst v15;
	v3 =	vsel vm3, $0x3, v3;
	vm3 =	vgt.f32 v58, v7;
	v2 =	vsel vm4, v59, v2  }
0x1c5: {  	v14 =	vld [tilespmem:$0x1FEA0];
	[tilespmem:s15+$0x2400] =	vst v13;
	v7 =	vsel vm3, v58, v7;
	v3 =	vsel vm3, $0x4, v3;
	vm3 =	vgt.f32 v28, v2  }
0x1c6: {  	v15 =	vsel vm3, v28, v2;
	v2 =	vld [tilespmem:$0x1FEB0];
	_ =	sdelay $0x4  }
0x1c7: {  	[tilespmem:s15+$0x2800] =	vst v2  }
0x1c8: {  	v2 =	vsel vm4, $0x5, v5;
	v5 =	vld [tilespmem:$0x1FEC0];
	_ =	sdelay $0x3  }
0x1c9: {  	s16 =	sor.u32 s0, s16  }
0x1ca: {  	[tilespmem:s16+$0x2800] =	vst v5  }
0x1cb: {  	v5 =	vld [tilespmem:$0x1FED0];
	_ =	sdelay $0x1  }
0x1cc: {  	vm6 =	vgt.f32 v22, v7  }
0x1cd: {  	v61 =	vnsel vm7, $0xFF800000, v14;
	v14 =	vnsel vm5, $0xFF800000, v48;
	v7 =	vsel vm6, v22, v7  }
0x1ce: {  	s17 =	sor.u32 s0, s17;
	v36 =	vnsel vm7, $0xFF800000, v36;
	vm5 =	vgt.f32 v61, v7;
	vm4 =	vgt.f32 v14, v15;
	[tilespmem:s15+$0x2000] =	vst v35  }
0x1cf: {  	v13 =	vsel vm5, v61, v7;
	vm8 =	vmneg vm4;
	v2 =	vsel vm3, $0x6, v2;
	[tilespmem:s17+$0x2800] =	vst v5  }
0x1d0: {  	v3 =	vsel vm6, $0x5, v3;
	vm6 =	vgt.f32 v36, v13;
	v7 =	vnsel vm8, $0x7, v2;
	v2 =	vld [tilespmem:$0x1FEE0];
	[tilespmem:s16+$0x2000] =	vst v29  }
0x1d1: {  	v3 =	vsel vm5, $0x6, v3;
	vm4 =	vmneg vm6;
	[tilespmem:s16+$0x2400] =	vst v20  }
0x1d2: {  	v53 =	vnsel vm4, $0x7, v3;
	[tilespmem:s17+$0x2000] =	vst v47  }
0x1d3: {  	vm6 =	veq.s32 v53, $0x0;
	[tilespmem:s17+$0x2400] =	vst v60  }
0x1d4: {  	v5 =	vsel vm6, $0xFF800000, v50;
	vm6 =	veq.s32 v53, $0x2;
	[tilespmem:s10+$0x0] =	vst v63  }
0x1d5: {  	v55 =	vsel vm6, $0xFF800000, v6;
	v6 =	vld [tilespmem:$0x1FEF0];
	_ =	sdelay $0x4  }
0x1d6: {  	[tilespmem:s16+$0x2C00] =	vst v6  }
0x1d7: {  	v6 =	vld [tilespmem:$0x1FF00];
	_ =	sdelay $0x4  }
0x1d8: {  	[tilespmem:s17+$0x2C00] =	vst v6  }
0x1d9: {  	v6 =	vld [tilespmem:$0x1FF10];
	_ =	sdelay $0x1  }
0x1da: {  	s29 =	sand.u32 $0x380, s19  }
0x1db: {  	s30 =	sor.u32 s29, s20  }
0x1dc: {  	[tilespmem:s30+$0x2400] =	vst v42  }
0x1dd: {  	[tilespmem:s15+$0x2C00] =	vst v6  }
0x1de: {  	vm6 =	veq.s32 v53, $0x3;
	v6 =	vld [tilespmem:$0x1FF20]  }
0x1df: {  	v18 =	vsel vm6, $0xFF800000, v18;
	v2 =	vsel vm0, $0x7, v2;
	vm0 =	veq.s32 v7, $0x0  }
0x1e0: {  	vm6 =	veq.s32 v53, $0x4;
	v3 =	vsel vm0, $0xFF800000, v10;
	vm0 =	veq.s32 v53, $0x1  }
0x1e1: {  	v21 =	vsel vm6, $0xFF800000, v58;
	v10 =	vsel vm0, $0xFF800000, v51;
	vm0 =	veq.s32 v7, $0x1  }
0x1e2: {  	v11 =	vsel vm0, $0xFF800000, v11;
	vm0 =	veq.s32 v30, $0x2;
	vm6 =	vgt.f32 v10, v5  }
0x1e3: {  	v54 =	vsel vm0, $0xFF800000, v49;
	vm0 =	veq.s32 v7, $0x2;
	[tilespmem:s30+$0x2800] =	vst v6;
	v6 =	vimm.s32 $0x0  }
0x1e4: {  	v17 =	vsel vm0, $0xFF800000, v17;
	vm0 =	veq.s32 v30, $0x3;
	v6 =	vsel vm6, $0xFFFFFFFF, v6  }
0x1e5: {  	s19 =	sor.u32 s29, s21;
	v56 =	vsel vm0, $0xFF800000, v46;
	vm0 =	veq.s32 v7, $0x3;
	[tilespmem:$0x1FF30] =	vst v6  }
0x1e6: {  	v19 =	vsel vm0, $0xFF800000, v19;
	vm0 =	veq.s32 v30, $0x4;
	[tilespmem:s19+$0x2800] =	vst v24  }
0x1e7: {  	v57 =	vsel vm0, $0xFF800000, v45;
	vm0 =	veq.s32 v7, $0x4;
	v6 =	vld [tilespmem:$0x1FF40]  }
0x1e8: {  	v23 =	vsel vm0, $0xFF800000, v23;
	vm0 =	veq.s32 v30, $0x5  }
0x1e9: {  	v41 =	vsel vm0, $0xFF800000, v41;
	vm0 =	veq.s32 v53, $0x5  }
0x1ea: {  	v22 =	vsel vm0, $0xFF800000, v22;
	vm0 =	veq.s32 v7, $0x5  }
0x1eb: {  	v10 =	vsel vm6, v10, v5;
	v5 =	vpop (erf);
	s17 =	sor.u32 s29, s22;
	v37 =	vsel vm0, $0xFF800000, v59  }
0x1ec: {  	v59 =	vimm.s32 $0x0;
	vm6 =	vgt.f32 v11, v3;
	[tilespmem:s17+$0x2800] =	vst v52;
	v58 =	vmul.f32 v5, v6;
	v6 =	vpop (erf)  }
0x1ed: {  	[tilespmem:s30+$0x2000] =	vst v16;
	v16 =	vmul.f32 v6, v32;
	v32 =	vsel vm6, $0xFFFFFFFF, v59  }
0x1ee: {  	[tilespmem:$0x1FF50] =	vst v32  }
0x1ef: {  	[tilespmem:s11+$0x0] =	vst v25  }
0x1f0: {  	v25 =	vld [tilespmem:$0x1FF60];
	_ =	sdelay $0x1  }
0x1f1: {  	vm0 =	vmand vm2, vm1  }
0x1f2: {  	v3 =	vsel vm6, v11, v3;
	v11 =	vsel vm0, $0xFF800000, v33;
	vm0 =	vmand vm5, vm4  }
0x1f3: {  	v60 =	vsel vm0, $0xFF800000, v61;
	v61 =	vimm.s32 $0x0;
	vm6 =	vgt.f32 v54, v39;
	[tilespmem:s19+$0x2000] =	vst v62  }
0x1f4: {  	vm0 =	vgt.f32 v55, v10;
	v32 =	vsel vm6, $0xFFFFFFFF, v61;
	v62 =	vimm.s32 $0x0;
	[tilespmem:s12+$0x0] =	vst v25  }
0x1f5: {  	[tilespmem:$0x1FF70] =	vst v32;
	v32 =	vsel vm0, $0xFFFFFFFF, v62  }
0x1f6: {  	vm2 =	vmand vm3, vm8;
	[tilespmem:$0x1FF80] =	vst v32  }
0x1f7: {  	v28 =	vsel vm2, $0xFF800000, v28;
	vm2 =	vgt.f32 v17, v3;
	[tilespmem:s19+$0x2400] =	vst v8;
	v8 =	vimm.s32 $0x0  }
0x1f8: {  	v8 =	vsel vm2, $0xFFFFFFFF, v8  }
0x1f9: {  	v63 =	vnsel vm1, $0xFF800000, v31;
	v10 =	vsel vm0, v55, v10;
	[tilespmem:$0x1FF90] =	vst v8  }
0x1fa: {  	v17 =	vsel vm2, v17, v3;
	v8 =	vsel vm1, v34, v31;
	vm1 =	vgt.f32 v18, v10;
	[tilespmem:s17+$0x2000] =	vst v9  }
0x1fb: {  	s15 =	simm.s32 $0x2040;
	vm2 =	vgt.f32 v19, v17;
	[tilespmem:s17+$0x2400] =	vst v26;
	v10 =	vsel vm1, v18, v10;
	v18 =	vimm.s32 $0x0  }
0x1fc: {  	[tilespmem:s15+$0x0] =	vst v58;
	v18 =	vsel vm2, $0xFFFFFFFF, v18  }
0x1fd: {  	[tilespmem:$0x1FFA0] =	vst v18;
	v18 =	vld [tilespmem:$0x1FFB0];
	_ =	sdelay $0x4  }
0x1fe: {  	[tilespmem:s13+$0x0] =	vst v18  }
0x1ff: {  	v18 =	vld [tilespmem:$0x1FFC0];
	_ =	sdelay $0x3  }
0x200: {  	v17 =	vsel vm2, v19, v17  }
0x201: {  	vm2 =	vgt.f32 v23, v17;
	[tilespmem:s19+$0x2C00] =	vst v18;
	v18 =	vimm.s32 $0x0  }
0x202: {  	v18 =	vsel vm2, $0xFFFFFFFF, v18  }
0x203: {  	v20 =	vsel vm6, v54, v39;
	[tilespmem:$0x1FFD0] =	vst v18;
	v18 =	vld [tilespmem:$0x1FFE0]  }
0x204: {  	vm0 =	vgt.f32 v56, v20  }
0x205: {  	v3 =	vsel vm4, v13, v36;
	v13 =	vsel vm0, v56, v20  }
0x206: {  	v9 =	vnsel vm4, $0xFF800000, v36;
	vm4 =	vgt.f32 v57, v13  }
0x207: {  	v13 =	vsel vm4, v57, v13;
	vm3 =	vgt.f32 v21, v10  }
0x208: {  	s31 =	sand.u32 $0x380, s23;
	v10 =	vsel vm3, v21, v10;
	v17 =	vsel vm2, v23, v17;
	vm7 =	vgt.f32 v41, v13;
	[tilespmem:s17+$0x2C00] =	vst v18  }
0x209: {  	s22 =	sor.u32 s31, s24;
	v13 =	vsel vm7, v41, v13;
	vm6 =	vgt.f32 v22, v10;
	vm2 =	vgt.f32 v37, v17;
	v18 =	vld [tilespmem:$0x1FFF0]  }
0x20a: {  	v10 =	vsel vm6, v22, v10;
	vm11 =	vgt.f32 v11, v13;
	v17 =	vsel vm2, v37, v17;
	[tilespmem:s22+$0x2400] =	vst v16  }
0x20b: {  	s23 =	sor.u32 s31, s25;
	v11 =	vsel vm11, v11, v13;
	vm10 =	vgt.f32 v60, v10;
	vm5 =	vgt.f32 v28, v17;
	[tilespmem:s22+$0x2800] =	vst v27  }
0x20c: {  	s24 =	sor.u32 s31, s26;
	v10 =	vsel vm10, v60, v10;
	v13 =	vsel vm5, v28, v17;
	v16 =	vnsel vm8, $0xFF800000, v14;
	[tilespmem:s23+$0x2800] =	vst v30  }
0x20d: {  	s21 =	simm.s32 $0xC0;
	s20 =	simm.s32 $0x8;
	vm13 =	vgt.f32 v63, v11;
	vm12 =	vgt.f32 v9, v10;
	[tilespmem:s24+$0x2800] =	vst v53;
	vm9 =	vgt.f32 v16, v13  }
0x20e: {  	s16 =	simm.s32 $0x2C00;
	v9 =	vsel vm12, v9, v10;
	s19 =	simm.s32 $0x2400;
	v17 =	vsel vm13, v63, v11;
	s17 =	simm.s32 $0x2800;
	v16 =	vsel vm9, v16, v13;
	[tilespmem:s30+$0x2C00] =	vst v18  }
.LBB2_2:
0x20f: {  	v10 =	vsel vm8, v15, v14;
	v14 =	vld [tilespmem:$0x1FE90];
	_ =	sdelay $0x4  }
0x210: {  	vm8 =	vnez.u8 v14;
	v14 =	vld [tilespmem:$0x1FF30];
	_ =	sdelay $0x4  }
0x211: {  	v18 =	vsel vm8, $0x1, v0;
	vm8 =	vnez.u8 v14;
	v14 =	vld [tilespmem:$0x1FF50];
	_ =	sdelay $0x3  }
0x212: {  	v11 =	vadd.f32 v17, v8  }
0x213: {  	v19 =	vsel vm8, $0x1, v0;
	vm8 =	vnez.u8 v14;
	v14 =	vld [tilespmem:$0x1FD90]  }
0x214: {  	(erf) = vrcp.f32 v11;
	v11 =	vld [tilespmem:$0x1FF70];
	_ =	sdelay $0x3  }
0x215: {  	v20 =	vsel vm8, $0x1, v0;
	vm8 =	vnez.u8 v14  }
0x216: {  	v21 =	vsel vm8, $0x1, v0;
	vm8 =	vnez.u8 v11  }
0x217: {  	v11 =	vsel vm8, $0x2, v18;
	v18 =	vld [tilespmem:$0x1FF80];
	_ =	sdelay $0x3  }
0x218: {  	v13 =	vadd.f32 v9, v3;
	v55 =	vld [tilespmem:$0x1FFA0]  }
0x219: {  	s29 =	sand.u32 $0x40, s21;
	s18 =	sadd.s32 $0x200, s18;
	v58 =	vld [tilespmem:$0x1FE00];
	v15 =	vadd.f32 v16, v10;
	vm8 =	vnez.u8 v18  }
0x21a: {  	s30 =	sand.u32 $0x1C00, s18;
	s25 =	sor.u32 $0x30, s29;
	(erf) = vrcp.f32 v13;
	v13 =	vld [tilespmem:$0x1FF90];
	v18 =	vsel vm8, $0x2, v19  }
0x21b: {  	s0 =	sor.u32 s25, s30;
	(erf) = vrcp.f32 v15;
	v15 =	vsel vm1, $0x3, v18;
	v18 =	vld [tilespmem:$0x1FDA0]  }
0x21c: {  	v31 =	vld [tilespmem:s0+$0x380];
	v11 =	vsel vm0, $0x3, v11  }
0x21d: {  	v11 =	vsel vm4, $0x4, v11;
	v56 =	vsel vm3, $0x4, v15;
	v15 =	vld [tilespmem:$0x1FFD0]  }
0x21e: {  	v57 =	vsel vm7, $0x5, v11;
	v11 =	vld [tilespmem:$0x1FDD0]  }
0x21f: {  	v22 =	vmul.f32 v6, v12;
	v5 =	vmul.f32 v5, v4;
	v23 =	vld [tilespmem:s0+$0x0]  }
0x220: {  	v25 =	vld [tilespmem:s0+$0x100];
	vm8 =	vnez.u8 v13;
	v19 =	vsel vm15, $0x2, v21;
	vm0 =	vnez.u8 v18  }
0x221: {  	v12 =	vld [tilespmem:s0+$0x180];
	v13 =	vsel vm8, $0x2, v20;
	v18 =	vsel vm0, $0x3, v19;
	vm0 =	vnez.u8 v55  }
0x222: {  	v48 =	vimm.s32 $0x0;
	v14 =	vld [tilespmem:s0+$0x300];
	v13 =	vsel vm0, $0x3, v13;
	vm0 =	vnez.u8 v15  }
0x223: {  	v62 =	vimm.s32 $0x0;
	v19 =	vld [tilespmem:s0+$0x80];
	v13 =	vsel vm0, $0x4, v13;
	vm0 =	vnez.u8 v11  }
0x224: {  	v63 =	vimm.s32 $0x0;
	s26 =	sor.u32 $0x10, s29;
	v15 =	vld [tilespmem:s0+$0x200];
	v11 =	vsel vm0, $0x4, v18;
	vm0 =	vnez.u8 v58  }
0x225: {  	v4 =	vmovc v16;
	v50 =	vimm.s32 $0x0;
	s31 =	sor.u32 s26, s30;
	v18 =	vsel vm6, $0x5, v56;
	v20 =	vsel vm0, $0x5, v11;
	v11 =	vld [tilespmem:s0+$0x280]  }
0x226: {  	v52 =	vimm.s32 $0x0;
	v54 =	vimm.s32 $0x0;
	v6 =	vpop (erf);
	v16 =	vsel vm10, $0x6, v18;
	[tilespmem:s22+$0x2000] =	vst v22;
	v22 =	vld [tilespmem:s31+$0x80]  }
0x227: {  	v30 =	vmax.f32 v25, v12;
	v8 =	vmul.f32 v6, v8;
	v29 =	vsel vm12, $0x7, v16;
	v16 =	vld [tilespmem:$0x1FE60]  }
0x228: {  	v6 =	vmul.f32 v6, v17;
	v21 =	vsel vm11, $0x6, v57;
	v18 =	vsel vm14, $0x6, v20;
	v20 =	vld [tilespmem:s31+$0x0]  }
0x229: {  	s19 =	sadd.s32 $0x40, s19;
	v27 =	vmax.f32 v14, v31;
	v57 =	vimm.s32 $0x0;
	v28 =	vsel vm13, $0x7, v21  }
0x22a: {  	s17 =	sadd.s32 $0x40, s17;
	[tilespmem:s19+$0x0] =	vst v5;
	vm1 =	vge.f32 v30, v27;
	v55 =	vimm.s32 $0x0;
	v13 =	vsel vm2, $0x5, v13  }
0x22b: {  	[tilespmem:s17+$0x0] =	vst v1;
	v1 =	vmovc v7;
	v58 =	vimm.s32 $0x0;
	v13 =	vsel vm5, $0x6, v13;
	v24 =	vmax.f32 v15, v11  }
0x22c: {  	v17 =	vld [tilespmem:s31+$0x100];
	v13 =	vsel vm9, $0x7, v13;
	vm0 =	vnez.u8 v16;
	v16 =	vpop (erf);
	vm3 =	vge.f32 v30, v24  }
0x22d: {  	v40 =	vmax.f32 v20, v22;
	v59 =	vmul.f32 v16, v3;
	v16 =	vmul.f32 v16, v9;
	v9 =	vld [tilespmem:s31+$0x180];
	[tilespmem:s23+$0x2000] =	vst v8  }
0x22e: {  	v18 =	vsel vm0, $0x7, v18;
	v5 =	vpop (erf);
	v8 =	vmax.f32 v23, v19;
	vm0 =	vge.f32 v24, v27;
	v7 =	vld [tilespmem:s31+$0x200];
	[tilespmem:s23+$0x2400] =	vst v6  }
0x22f: {  	s28 =	sor.u32 $0x20, s29;
	v10 =	vmul.f32 v5, v10;
	vm4 =	vge.f32 v8, v24;
	vm5 =	vge.f32 v8, v30;
	[tilespmem:s22+$0x2C00] =	vst v18  }
0x230: {  	s29 =	sor.u32 s29, s30;
	s30 =	sor.u32 s28, s30;
	vm2 =	vge.f32 v8, v27;
	[tilespmem:s24+$0x2000] =	vst v59;
	v6 =	vsel vm4, $0x1, v0;
	vm6 =	vmneg vm5  }
0x231: {  	s15 =	sadd.s32 $0x40, s15;
	v8 =	vsel vm5, $0x1, v0;
	vm4 =	vmneg vm4;
	v18 =	vsel vm2, $0x1, v0;
	v26 =	vld [tilespmem:s30+$0x0];
	[tilespmem:s24+$0x2400] =	vst v16  }
0x232: {  	s16 =	sadd.s32 $0x40, s16;
	[tilespmem:s15+$0x0] =	vst v10;
	v10 =	vsel vm6, $0x1, v0;
	v16 =	vsel vm4, $0x1, v0;
	vm4 =	vmneg vm2  }
0x233: {  	[tilespmem:s16+$0x0] =	vst v2;
	v2 =	vmovc v13;
	v10 =	vadd.s32 v10, v16;
	v13 =	vsel vm4, $0x1, v0;
	vm4 =	vmneg vm3  }
0x234: {  	v27 =	vld [tilespmem:s30+$0x80];
	v13 =	vadd.s32 v13, v10;
	v60 =	vsel vm4, $0x1, v0;
	vm4 =	vmneg vm1  }
0x235: {  	v24 =	vld [tilespmem:s30+$0x100];
	v43 =	vmax.f32 v17, v9;
	v8 =	vadd.s32 v8, v60;
	v61 =	vsel vm4, $0x1, v0  }
0x236: {  	v21 =	vld [tilespmem:s30+$0x180];
	vm4 =	vlt.u32 v13, $0x2;
	v13 =	vsel vm3, $0x1, v0;
	vm9 =	vge.f32 v40, v43  }
0x237: {  	v16 =	vld [tilespmem:s30+$0x200];
	[tilespmem:s24+$0x2C00] =	vst v29;
	v60 =	vimm.s32 $0x0;
	v8 =	vadd.s32 v61, v8;
	v32 =	vnsel vm4, $0xFF800000, v23  }
0x238: {  	v10 =	vld [tilespmem:s30+$0x280];
	v35 =	vnsel vm4, $0xFF800000, v19;
	vm4 =	vmneg vm0;
	v6 =	vadd.s32 v13, v6  }
0x239: {  	vm5 =	vlt.u32 v8, $0x2;
	vm3 =	vgt.f32 v35, v32;
	v13 =	vsel vm4, $0x1, v0  }
0x23a: {  	v36 =	vnsel vm5, $0xFF800000, v25;
	v8 =	vsel vm3, v35, v32;
	v6 =	vadd.s32 v13, v6  }
0x23b: {  	v12 =	vnsel vm5, $0xFF800000, v12;
	v44 =	vmax.f32 v26, v27;
	v45 =	vmax.f32 v24, v21  }
0x23c: {  	vm4 =	vgt.f32 v36, v8;
	vm2 =	vlt.u32 v6, $0x2;
	v6 =	vsel vm1, $0x1, v0  }
0x23d: {  	v34 =	vmax.f32 v16, v10;
	vm10 =	vge.f32 v44, v45;
	v8 =	vsel vm4, v36, v8  }
0x23e: {  	v3 =	vld [tilespmem:s31+$0x280];
	v37 =	vnsel vm2, $0xFF800000, v15;
	v6 =	vadd.s32 v6, v18;
	vm5 =	vgt.f32 v12, v8  }
0x23f: {  	[tilespmem:s23+$0x2C00] =	vst v28;
	v28 =	vld [tilespmem:s29+$0x100];
	v18 =	vsel vm0, $0x1, v0;
	v38 =	vnsel vm2, $0xFF800000, v11;
	v33 =	vsel vm5, v12, v8  }
0x240: {  	v25 =	vld [tilespmem:s29+$0x180];
	vm6 =	vge.f32 v44, v34;
	v6 =	vadd.s32 v18, v6;
	vm0 =	vgt.f32 v37, v33  }
0x241: {  	vm2 =	vlt.u32 v6, $0x2;
	v6 =	vsel vm3, $0x1, v0;
	v33 =	vsel vm0, v37, v33  }
0x242: {  	v29 =	vld [tilespmem:s29+$0x0];
	vm13 =	vge.f32 v45, v34;
	v6 =	vsel vm4, $0x2, v6;
	vm3 =	vgt.f32 v38, v33  }
0x243: {  	v30 =	vld [tilespmem:s29+$0x80];
	v39 =	vnsel vm2, $0xFF800000, v14;
	v6 =	vsel vm5, $0x3, v6;
	v33 =	vsel vm3, v38, v33  }
0x244: {  	v41 =	vnsel vm2, $0xFF800000, v31;
	v6 =	vsel vm0, $0x4, v6;
	vm1 =	vgt.f32 v39, v33  }
0x245: {  	v47 =	vmax.f32 v28, v25;
	v6 =	vsel vm3, $0x5, v6;
	v42 =	vsel vm1, v39, v33  }
0x246: {  	v23 =	vld [tilespmem:s29+$0x200];
	v33 =	vmax.f32 v7, v3;
	v6 =	vsel vm1, $0x6, v6;
	vm0 =	vgt.f32 v41, v42  }
0x247: {  	v19 =	vld [tilespmem:s29+$0x280];
	vm4 =	vge.f32 v40, v33;
	vm14 =	vge.f32 v43, v33;
	vm0 =	vmneg vm0  }
0x248: {  	v31 =	vnsel vm0, $0x7, v6;
	v6 =	vmax.f32 v29, v30;
	vm1 =	vmand vm1, vm0  }
0x249: {  	v56 =	vnsel vm0, $0xFF800000, v41;
	vm2 =	veq.s32 v31, $0x0;
	vm3 =	veq.s32 v31, $0x1  }
0x24a: {  	vm11 =	vge.f32 v6, v47;
	v53 =	vsel vm1, $0xFF800000, v39;
	vm1 =	vmneg vm9  }
0x24b: {  	v32 =	vsel vm2, $0xFF800000, v32;
	v46 =	vsel vm3, $0xFF800000, v35;
	vm2 =	veq.s32 v31, $0x2  }
0x24c: {  	v35 =	vmax.f32 v23, v19;
	vm3 =	vgt.f32 v46, v32;
	v36 =	vsel vm2, $0xFF800000, v36  }
0x24d: {  	v13 =	vld [tilespmem:s31+$0x300];
	vm2 =	veq.s32 v31, $0x3;
	vm5 =	vge.f32 v6, v35;
	v32 =	vsel vm3, v46, v32  }
0x24e: {  	v8 =	vld [tilespmem:s31+$0x380];
	v48 =	vsel vm3, $0xFFFFFFFF, v48;
	v12 =	vsel vm2, $0xFF800000, v12;
	vm3 =	vgt.f32 v36, v32  }
0x24f: {  	v15 =	vld [tilespmem:s30+$0x300];
	vm2 =	veq.s32 v31, $0x4;
	[tilespmem:$0x1FD90] =	vst v48;
	v48 =	vimm.s32 $0x0;
	v32 =	vsel vm3, v36, v32  }
0x250: {  	v11 =	vld [tilespmem:s30+$0x380];
	v49 =	vsel vm2, $0xFF800000, v37;
	v46 =	vsel vm3, $0xFFFFFFFF, v62;
	vm3 =	vgt.f32 v12, v32  }
0x251: {  	vm2 =	veq.s32 v31, $0x5;
	v36 =	vsel vm6, $0xFFFFFFFF, v48;
	v12 =	vsel vm3, v12, v32  }
0x252: {  	v18 =	vld [tilespmem:s29+$0x300];
	v51 =	vsel vm2, $0xFF800000, v38;
	[tilespmem:$0x1FD10] =	vst v46;
	v37 =	vsel vm3, $0xFFFFFFFF, v50;
	vm3 =	vgt.f32 v49, v12  }
0x253: {  	v14 =	vld [tilespmem:s29+$0x380];
	v46 =	vsel vm4, $0xFFFFFFFF, v63;
	[tilespmem:$0x1FC90] =	vst v36;
	v36 =	vmax.f32 v13, v8;
	v12 =	vsel vm3, v49, v12  }
0x254: {  	vm8 =	vge.f32 v40, v36;
	[tilespmem:$0x1FDA0] =	vst v37;
	v37 =	vsel vm3, $0xFFFFFFFF, v52;
	vm2 =	vgt.f32 v51, v12  }
0x255: {  	[tilespmem:$0x1FDD0] =	vst v37;
	v37 =	vmax.f32 v15, v11;
	v39 =	vsel vm2, $0xFFFFFFFF, v54;
	v12 =	vsel vm2, v51, v12  }
0x256: {  	vm2 =	vmneg vm4;
	vm4 =	vmneg vm6;
	vm6 =	vmneg vm11  }
0x257: {  	vm12 =	vge.f32 v44, v37;
	v54 =	vimm.s32 $0x0;
	v44 =	vsel vm5, $0x1, v0  }
0x258: {  	[tilespmem:$0x1FE00] =	vst v39;
	v39 =	vmax.f32 v18, v14;
	vm3 =	vgt.f32 v53, v12;
	v40 =	vsel vm12, $0xFFFFFFFF, v60  }
0x259: {  	v61 =	vsel vm2, $0x1, v0;
	v63 =	vsel vm6, $0x1, v0;
	v49 =	vsel vm4, $0x1, v0  }
0x25a: {  	vm2 =	vmneg vm12;
	vm12 =	vge.f32 v47, v35;
	v60 =	vsel vm11, $0x1, v0  }
0x25b: {  	v32 =	vsel vm3, $0xFFFFFFFF, v55;
	v38 =	vsel vm3, v53, v12;
	vm3 =	vmneg vm10  }
0x25c: {  	v12 =	vsel vm0, v42, v41;
	vm0 =	vmneg vm5;
	v53 =	vsel vm2, $0x1, v0  }
0x25d: {  	vm2 =	vmneg vm13;
	vm4 =	vge.f32 v47, v39;
	vm15 =	vge.f32 v35, v39  }
0x25e: {  	vm7 =	vgt.f32 v56, v38;
	v62 =	vsel vm3, $0x1, v0;
	v48 =	vsel vm0, $0x1, v0  }
0x25f: {  	[tilespmem:$0x1FC80] =	vst v46;
	v46 =	vsel vm4, $0xFFFFFFFF, v54;
	vm3 =	vge.f32 v43, v36;
	v41 =	vsel vm7, $0xFFFFFFFF, v57  }
0x260: {  	[tilespmem:$0x1FD00] =	vst v32;
	v32 =	vsel vm7, v56, v38;
	v38 =	vsel vm8, $0xFFFFFFFF, v58;
	vm7 =	vge.f32 v6, v39  }
0x261: {  	v6 =	vimm.s32 $0x0;
	v50 =	vadd.s32 v62, v49;
	v58 =	vsel vm2, $0x1, v0  }
0x262: {  	[tilespmem:$0x1FCC0] =	vst v40;
	vm2 =	vmneg vm4;
	v59 =	vadd.f32 v32, v12;
	v6 =	vsel vm7, $0xFFFFFFFF, v6  }
0x263: {  	[tilespmem:$0x1FCA0] =	vst v38;
	vm0 =	vmneg vm7;
	v38 =	vadd.s32 v63, v48;
	vm7 =	vge.f32 v45, v37  }
0x264: {  	v40 =	vadd.s32 v53, v50;
	v45 =	vsel vm12, $0x1, v0;
	[tilespmem:$0x1FCB0] =	vst v6;
	v6 =	vsel vm1, $0x1, v0  }
0x265: {  	vm1 =	vmneg vm8;
	v51 =	vsel vm0, $0x1, v0;
	vm0 =	vmneg vm12  }
0x266: {  	vm8 =	vlt.u32 v40, $0x2;
	(erf) = vrcp.f32 v59;
	v6 =	vadd.s32 v6, v61  }
0x267: {  	v52 =	vsel vm1, $0x1, v0;
	vm1 =	vmneg vm14;
	v38 =	vadd.s32 v51, v38  }
0x268: {  	v56 =	vsel vm0, $0x1, v0;
	v59 =	vsel vm9, $0x1, v0;
	vm0 =	vmneg vm3  }
0x269: {  	v61 =	vsel vm10, $0x1, v0;
	v51 =	vsel vm2, $0x1, v0;
	v26 =	vnsel vm8, $0xFF800000, v26  }
0x26a: {  	v27 =	vnsel vm8, $0xFF800000, v27;
	vm8 =	vge.f32 v33, v36;
	v55 =	vadd.s32 v52, v6  }
0x26b: {  	v57 =	vsel vm1, $0x1, v0;
	vm1 =	vmneg vm7;
	vm9 =	vlt.u32 v38, $0x2  }
0x26c: {  	v63 =	vadd.s32 v61, v58;
	v48 =	vadd.s32 v60, v56;
	v49 =	vsel vm0, $0x1, v0  }
0x26d: {  	vm11 =	vgt.f32 v27, v26;
	v56 =	vimm.s32 $0x0;
	v61 =	vsel vm14, $0x1, v0  }
0x26e: {  	vm14 =	vmneg vm8;
	v38 =	vadd.s32 v45, v44;
	vm4 =	vlt.u32 v55, $0x2  }
0x26f: {  	s31 =	sand.u32 $0x380, s21;
	v62 =	vadd.s32 v59, v57;
	v50 =	vsel vm1, $0x1, v0;
	v54 =	vadd.s32 v51, v48  }
0x270: {  	s22 =	sor.u32 s31, s25;
	[tilespmem:$0x1FCD0] =	vst v46;
	v55 =	vimm.s32 $0x0;
	v58 =	vsel vm11, v27, v26;
	v46 =	vsel vm14, $0x1, v0  }
0x271: {  	[tilespmem:s22+$0x2800] =	vst v31;
	v31 =	vnsel vm4, $0xFF800000, v20;
	v20 =	vnsel vm9, $0xFF800000, v29;
	v52 =	vadd.s32 v49, v62  }
0x272: {  	v53 =	vadd.s32 v50, v63;
	vm0 =	vlt.u32 v54, $0x2;
	v63 =	vsel vm13, $0x1, v0  }
0x273: {  	vm13 =	vmneg vm15;
	v54 =	vld [tilespmem:$0x1FCB0];
	vm1 =	vlt.u32 v52, $0x2;
	vm2 =	vlt.u32 v53, $0x2  }
0x274: {  	v48 =	vsel vm13, $0x1, v0;
	v53 =	vsel vm3, $0x1, v0;
	v24 =	vnsel vm2, $0xFF800000, v24  }
0x275: {  	v29 =	vnsel vm1, $0xFF800000, v17;
	v17 =	vnsel vm0, $0xFF800000, v28;
	vm5 =	vgt.f32 v24, v58;
	v6 =	vpop (erf)  }
0x276: {  	v21 =	vnsel vm2, $0xFF800000, v21;
	v33 =	vsel vm5, v24, v58;
	v32 =	vmul.f32 v6, v32  }
0x277: {  	v60 =	vld [tilespmem:$0x1FC80];
	v51 =	vadd.s32 v48, v38;
	v58 =	vsel vm8, $0x1, v0;
	vm14 =	vgt.f32 v21, v33  }
0x278: {  	vm3 =	vnez.u8 v54;
	v33 =	vsel vm14, v21, v33;
	[tilespmem:s22+$0x2400] =	vst v32;
	v32 =	vnsel vm4, $0xFF800000, v22  }
0x279: {  	v62 =	vld [tilespmem:$0x1FC90];
	v22 =	vnsel vm9, $0xFF800000, v30;
	vm4 =	vge.f32 v34, v37;
	vm9 =	vgt.f32 v32, v31  }
0x27a: {  	vm6 =	vgt.f32 v22, v20;
	vm12 =	vmneg vm4;
	v40 =	vsel vm9, $0xFFFFFFFF, v55  }
0x27b: {  	v57 =	vsel vm9, v32, v31;
	v59 =	vsel vm6, v22, v20;
	v47 =	vsel vm12, $0x1, v0  }
0x27c: {  	[tilespmem:$0x1FCE0] =	vst v40;
	v40 =	vsel vm6, $0xFFFFFFFF, v56;
	vm6 =	vnez.u8 v60;
	vm10 =	vgt.f32 v29, v57  }
0x27d: {  	vm9 =	vgt.f32 v17, v59;
	v56 =	vsel vm7, $0x1, v0;
	v60 =	vsel vm15, $0x1, v0  }
0x27e: {  	v28 =	vsel vm6, $0x1, v0;
	vm6 =	vnez.u8 v62;
	v30 =	vsel vm10, v29, v57  }
0x27f: {  	v34 =	vsel vm9, v17, v59;
	v59 =	vsel vm4, $0x1, v0;
	v36 =	vsel vm6, $0x1, v0  }
0x280: {  	v55 =	vld [tilespmem:$0x1FCC0];
	v35 =	vadd.s32 v61, v28;
	v28 =	vnsel vm1, $0xFF800000, v9;
	v9 =	vnsel vm0, $0xFF800000, v25  }
0x281: {  	vm0 =	vlt.u32 v51, $0x2;
	v51 =	vimm.s32 $0x0;
	v36 =	vadd.s32 v63, v36  }
0x282: {  	v57 =	vld [tilespmem:$0x1FCD0];
	v49 =	vadd.s32 v46, v35;
	vm13 =	vgt.f32 v28, v30;
	vm12 =	vgt.f32 v9, v34  }
0x283: {  	v63 =	vsel vm11, $0x1, v0;
	v50 =	vadd.s32 v47, v36;
	vm1 =	vlt.u32 v49, $0x2  }
0x284: {  	v52 =	vsel vm13, v28, v30;
	v34 =	vsel vm12, v9, v34;
	v36 =	vsel vm3, $0x1, v0  }
0x285: {  	vm3 =	vnez.u8 v55;
	v44 =	vsel vm5, $0x2, v63;
	v55 =	vimm.s32 $0x0  }
0x286: {  	vm2 =	vlt.u32 v50, $0x2;
	v25 =	vnsel vm1, $0xFF800000, v7;
	v37 =	vsel vm3, $0x1, v0  }
0x287: {  	v62 =	vld [tilespmem:$0x1FCE0];
	v30 =	vnsel vm2, $0xFF800000, v16;
	v16 =	vnsel vm0, $0xFF800000, v23;
	vm3 =	vnez.u8 v57  }
0x288: {  	[tilespmem:$0x1FCF0] =	vst v40;
	v37 =	vadd.s32 v56, v37;
	v23 =	vnsel vm1, $0xFF800000, v3;
	v3 =	vnsel vm0, $0xFF800000, v19  }
0x289: {  	v40 =	vld [tilespmem:$0x1FCF0];
	v56 =	vimm.s32 $0x0;
	v57 =	vimm.s32 $0x0;
	v39 =	vsel vm3, $0x1, v0  }
0x28a: {  	v7 =	vld [tilespmem:$0x1FCA0];
	vm7 =	vgt.f32 v30, v33;
	vm3 =	vgt.f32 v16, v34;
	v36 =	vadd.s32 v39, v36  }
0x28b: {  	v61 =	vsel vm7, v30, v33;
	v34 =	vsel vm3, v16, v34;
	v33 =	vnsel vm2, $0xFF800000, v10  }
0x28c: {  	v10 =	vadd.s32 v59, v37;
	vm2 =	vnez.u8 v62;
	v59 =	vimm.s32 $0x0  }
0x28d: {  	v62 =	vimm.s32 $0x0;
	v19 =	vadd.s32 v60, v36;
	vm8 =	vgt.f32 v33, v61  }
0x28e: {  	vm0 =	vgt.f32 v3, v34;
	v36 =	vsel vm2, $0x1, v0;
	vm2 =	vnez.u8 v40  }
0x28f: {  	vm4 =	vlt.u32 v10, $0x2;
	vm6 =	vnez.u8 v7;
	v38 =	vsel vm2, $0x1, v0  }
0x290: {  	vm11 =	vlt.u32 v19, $0x2;
	v42 =	vsel vm8, v33, v61;
	v43 =	vsel vm0, v3, v34  }
0x291: {  	v10 =	vsel vm10, $0x2, v36;
	v46 =	vnsel vm4, $0xFF800000, v15;
	v36 =	vsel vm14, $0x3, v44  }
0x292: {  	v11 =	vnsel vm4, $0xFF800000, v11;
	v7 =	vsel vm6, $0x1, v0;
	vm6 =	vgt.f32 v25, v52  }
0x293: {  	v45 =	vsel vm9, $0x2, v38;
	v18 =	vnsel vm11, $0xFF800000, v18;
	vm10 =	vgt.f32 v46, v42  }
0x294: {  	v47 =	vsel vm13, $0x3, v10;
	v48 =	vsel vm7, $0x4, v36;
	v14 =	vnsel vm11, $0xFF800000, v14  }
0x295: {  	v7 =	vadd.s32 v53, v7;
	v35 =	vsel vm6, v25, v52;
	vm5 =	vgt.f32 v18, v43  }
0x296: {  	v37 =	vsel vm12, $0x3, v45;
	v52 =	vimm.s32 $0x0;
	v53 =	vimm.s32 $0x0  }
0x297: {  	v7 =	vadd.s32 v58, v7;
	vm1 =	vgt.f32 v23, v35;
	v15 =	vsel vm5, v18, v43  }
0x298: {  	v49 =	vsel vm3, $0x4, v37;
	vm2 =	vlt.u32 v7, $0x2;
	v7 =	vsel vm1, v23, v35  }
0x299: {  	vm4 =	vgt.f32 v14, v15;
	v35 =	vsel vm8, $0x5, v48;
	v36 =	vsel vm0, $0x5, v49  }
0x29a: {  	v19 =	vnsel vm2, $0xFF800000, v13;
	v13 =	vsel vm10, v46, v42;
	v8 =	vnsel vm2, $0xFF800000, v8  }
0x29b: {  	vm8 =	vmneg vm4;
	v35 =	vsel vm10, $0x6, v35;
	v36 =	vsel vm5, $0x6, v36  }
0x29c: {  	vm9 =	vgt.f32 v19, v7;
	vm3 =	vgt.f32 v11, v13;
	vm5 =	vmand vm5, vm8  }
0x29d: {  	v10 =	vsel vm9, v19, v7;
	v7 =	vsel vm6, $0x4, v47;
	vm15 =	vmneg vm3  }
0x29e: {  	v18 =	vsel vm5, $0xFF800000, v18;
	vm2 =	vgt.f32 v8, v10;
	v7 =	vsel vm1, $0x5, v7  }
0x29f: {  	v35 =	vnsel vm15, $0x7, v35;
	vm10 =	vmand vm10, vm15;
	vm14 =	vmneg vm2  }
0x2a0: {  	v7 =	vsel vm9, $0x6, v7;
	vm3 =	veq.s32 v35, $0x0;
	vm4 =	veq.s32 v35, $0x1  }
0x2a1: {  	v50 =	vnsel vm14, $0x7, v7;
	v7 =	vnsel vm8, $0x7, v36;
	v26 =	vsel vm3, $0xFF800000, v26  }
0x2a2: {  	v27 =	vsel vm4, $0xFF800000, v27;
	vm9 =	vmand vm9, vm14;
	vm0 =	veq.s32 v50, $0x0  }
0x2a3: {  	vm1 =	veq.s32 v50, $0x1;
	vm2 =	veq.s32 v7, $0x0;
	vm6 =	veq.s32 v7, $0x1  }
0x2a4: {  	vm4 =	vgt.f32 v27, v26;
	vm7 =	veq.s32 v7, $0x5;
	v31 =	vsel vm0, $0xFF800000, v31  }
0x2a5: {  	v32 =	vsel vm1, $0xFF800000, v32;
	v20 =	vsel vm2, $0xFF800000, v20;
	v22 =	vsel vm6, $0xFF800000, v22  }
0x2a6: {  	vm0 =	veq.s32 v50, $0x2;
	vm1 =	veq.s32 v35, $0x2;
	vm2 =	veq.s32 v7, $0x2  }
0x2a7: {  	v26 =	vsel vm4, v27, v26;
	v3 =	vsel vm7, $0xFF800000, v3;
	vm3 =	vgt.f32 v32, v31  }
0x2a8: {  	vm6 =	vgt.f32 v22, v20;
	v54 =	vsel vm0, $0xFF800000, v29;
	v24 =	vsel vm1, $0xFF800000, v24  }
0x2a9: {  	v17 =	vsel vm2, $0xFF800000, v17;
	vm0 =	veq.s32 v50, $0x3;
	vm1 =	veq.s32 v35, $0x3  }
0x2aa: {  	vm2 =	veq.s32 v7, $0x3;
	v36 =	vsel vm3, $0xFFFFFFFF, v51;
	v31 =	vsel vm3, v32, v31  }
0x2ab: {  	v32 =	vsel vm4, $0xFFFFFFFF, v52;
	v27 =	vsel vm6, $0xFFFFFFFF, v53;
	v20 =	vsel vm6, v22, v20  }
0x2ac: {  	vm4 =	vgt.f32 v24, v26;
	v58 =	vsel vm0, $0xFF800000, v28;
	v21 =	vsel vm1, $0xFF800000, v21  }
0x2ad: {  	v9 =	vsel vm2, $0xFF800000, v9;
	vm2 =	veq.s32 v50, $0x4;
	vm3 =	vgt.f32 v54, v31  }
0x2ae: {  	[tilespmem:$0x1FF50] =	vst v27;
	vm6 =	vgt.f32 v17, v20;
	v24 =	vsel vm4, v24, v26;
	v27 =	vsel vm3, $0xFFFFFFFF, v55  }
0x2af: {  	v22 =	vsel vm3, v54, v31;
	v26 =	vsel vm6, $0xFFFFFFFF, v57;
	v17 =	vsel vm6, v17, v20  }
0x2b0: {  	vm1 =	vgt.f32 v21, v24;
	vm3 =	veq.s32 v35, $0x4;
	[tilespmem:$0x1FF70] =	vst v27;
	v27 =	vsel vm4, $0xFFFFFFFF, v56  }
0x2b1: {  	vm0 =	vgt.f32 v58, v22;
	vm6 =	vgt.f32 v9, v17;
	vm4 =	veq.s32 v7, $0x4  }
0x2b2: {  	v21 =	vsel vm1, v21, v24;
	v60 =	vsel vm3, $0xFF800000, v30;
	v20 =	vsel vm0, v58, v22  }
0x2b3: {  	v22 =	vsel vm6, $0xFFFFFFFF, v59;
	v9 =	vsel vm6, v9, v17;
	v17 =	vsel vm2, $0xFF800000, v25  }
0x2b4: {  	v16 =	vsel vm4, $0xFF800000, v16;
	vm3 =	vgt.f32 v60, v21;
	vm2 =	veq.s32 v50, $0x5  }
0x2b5: {  	vm6 =	veq.s32 v35, $0x5;
	vm4 =	vgt.f32 v17, v20;
	vm11 =	vgt.f32 v16, v9  }
0x2b6: {  	v61 =	vsel vm3, v60, v21;
	v63 =	vsel vm6, $0xFF800000, v33;
	v17 =	vsel vm4, v17, v20  }
0x2b7: {  	v21 =	vsel vm11, $0xFFFFFFFF, v62;
	v9 =	vsel vm11, v16, v9;
	v16 =	vsel vm2, $0xFF800000, v23  }
0x2b8: {  	vm6 =	vgt.f32 v63, v61;
	vm7 =	vgt.f32 v16, v17;
	vm2 =	vgt.f32 v3, v9  }
0x2b9: {  	v16 =	vsel vm7, v16, v17;
	v3 =	vsel vm2, v3, v9;
	v9 =	vsel vm9, $0xFF800000, v19  }
0x2ba: {  	v17 =	vsel vm6, v63, v61;
	v19 =	vsel vm10, $0xFF800000, v46;
	vm11 =	vgt.f32 v9, v16  }
0x2bb: {  	vm10 =	vgt.f32 v19, v17;
	vm5 =	vgt.f32 v18, v3;
	v9 =	vsel vm11, v9, v16  }
0x2bc: {  	s24 =	sor.u32 s31, s28;
	[tilespmem:$0x1FE60] =	vst v41;
	v16 =	vsel vm10, v19, v17;
	v3 =	vsel vm5, v18, v3;
	v17 =	vnsel vm14, $0xFF800000, v8  }
0x2bd: {  	s23 =	sor.u32 s31, s26;
	[tilespmem:s24+$0x2800] =	vst v35;
	v18 =	vnsel vm15, $0xFF800000, v11;
	v19 =	vnsel vm8, $0xFF800000, v14;
	v8 =	vsel vm14, v10, v8  }
0x2be: {  	s20 =	sadd.s32 $0x4, s20;
	[tilespmem:s23+$0x2800] =	vst v50;
	v10 =	vld [tilespmem:$0x1FD10];
	vm13 =	vgt.f32 v17, v9;
	vm12 =	vgt.f32 v18, v16;
	vm9 =	vgt.f32 v19, v3  }
0x2bf: {  	p0 =	slt.u32 s20, $0x3C;
	[tilespmem:$0x1FE90] =	vst v36;
	v17 =	vsel vm13, v17, v9;
	v9 =	vsel vm12, v18, v16;
	v16 =	vsel vm9, v19, v3;
	v3 =	vld [tilespmem:$0x1FD00]  }
.Ltmp0:
0x2c0: {  	[tilespmem:$0x1FF30] =	vst v32;
	(pc) =	sbr.rel @p0 .LBB2_2-.Ltmp0, $4  }
0x2c1: {  	[tilespmem:$0x1FF90] =	vst v26  }
0x2c2: {  	[tilespmem:$0x1FF80] =	vst v27  }
0x2c3: {  	[tilespmem:$0x1FFA0] =	vst v22  }
0x2c4: {  	s21 =	sadd.s32 $0x40, s21;
	[tilespmem:$0x1FFD0] =	vst v21;
	vm14 =	vnez.u8 v3;
	v3 =	vsel vm15, v13, v11;
	vm15 =	vnez.u8 v10  }
0x2c5: {  	v10 =	vadd.f32 v17, v8;
	_ =	sdelay $0x1  }
0x2c6: {  	v48 =	vadd.f32 v9, v3;
	(erf) = vrcp.f32 v10;
	_ =	sdelay $0x1  }
0x2c7: {  	(erf) = vrcp.f32 v48;
	_ =	sdelay $0x1  }
0x2c8: {  	v6 =	vmul.f32 v6, v12  }
0x2c9: {  	v11 =	vsel vm8, v15, v14  }
0x2ca: {  	v4 =	vmul.f32 v5, v4;
	v49 =	vld [tilespmem:$0x1FE90];
	v13 =	vadd.f32 v16, v11;
	[tilespmem:s22+$0x2000] =	vst v6  }
0x2cb: {  	s0 =	sadd.s32 $0x40, s19;
	v51 =	vld [tilespmem:$0x1FF30]  }
0x2cc: {  	v52 =	vld [tilespmem:$0x1FF50];
	[tilespmem:s0+$0x0] =	vst v4;
	(erf) = vrcp.f32 v13  }
0x2cd: {  	s17 =	sadd.s32 $0x40, s17;
	v4 =	vld [tilespmem:$0x1FD90];
	v50 =	vpop (erf)  }
0x2ce: {  	v54 =	vld [tilespmem:$0x1FF70];
	[tilespmem:s17+$0x0] =	vst v1;
	v53 =	vmul.f32 v50, v8  }
0x2cf: {  	v1 =	vld [tilespmem:$0x1FF80];
	v6 =	vmul.f32 v50, v17;
	v55 =	vpop (erf)  }
0x2d0: {  	vm8 =	vnez.u8 v49;
	v56 =	vld [tilespmem:$0x1FF90];
	v3 =	vmul.f32 v55, v3;
	[tilespmem:s23+$0x2000] =	vst v53  }
0x2d1: {  	v5 =	vsel vm8, $0x1, v0;
	vm8 =	vnez.u8 v51;
	[tilespmem:s23+$0x2400] =	vst v6  }
0x2d2: {  	v10 =	vsel vm8, $0x1, v0;
	vm8 =	vnez.u8 v52;
	[tilespmem:s24+$0x2000] =	vst v3  }
0x2d3: {  	v12 =	vsel vm8, $0x1, v0;
	vm8 =	vnez.u8 v4;
	v3 =	vld [tilespmem:$0x1FDA0]  }
0x2d4: {  	v4 =	vsel vm8, $0x1, v0;
	vm8 =	vnez.u8 v54  }
0x2d5: {  	v5 =	vsel vm8, $0x2, v5;
	v57 =	vmul.f32 v55, v9;
	v58 =	vpop (erf)  }
0x2d6: {  	v5 =	vsel vm0, $0x3, v5;
	v59 =	vmul.f32 v58, v11  }
0x2d7: {  	s15 =	sadd.s32 $0x40, s15;
	v5 =	vsel vm4, $0x4, v5;
	[tilespmem:s24+$0x2400] =	vst v57  }
0x2d8: {  	s29 =	sadd.s32 $0x40, s16;
	v4 =	vsel vm15, $0x2, v4;
	v60 =	vsel vm7, $0x5, v5;
	v61 =	vld [tilespmem:$0x1FDD0];
	[tilespmem:s15+$0x0] =	vst v59;
	vm4 =	vnez.u8 v3  }
0x2d9: {  	vm8 =	vnez.u8 v1;
	v62 =	vld [tilespmem:$0x1FE00];
	[tilespmem:s29+$0x0] =	vst v2;
	v3 =	vsel vm4, $0x3, v4;
	v4 =	vsel vm11, $0x6, v60  }
0x2da: {  	v1 =	vsel vm8, $0x2, v10;
	v2 =	vld [tilespmem:$0x1FFA0];
	v4 =	vsel vm13, $0x7, v4  }
0x2db: {  	v1 =	vsel vm1, $0x3, v1;
	[tilespmem:s23+$0x2C00] =	vst v4  }
0x2dc: {  	v1 =	vsel vm3, $0x4, v1;
	v4 =	vld [tilespmem:$0x1FFD0]  }
0x2dd: {  	vm8 =	vnez.u8 v56;
	v1 =	vsel vm6, $0x5, v1  }
0x2de: {  	v10 =	vsel vm8, $0x2, v12;
	v1 =	vsel vm10, $0x6, v1;
	vm8 =	vnez.u8 v61;
	v63 =	vld [tilespmem:$0x1FE60]  }
0x2df: {  	v3 =	vsel vm8, $0x4, v3;
	vm11 =	vnez.u8 v62;
	vm13 =	vnez.u8 v2  }
0x2e0: {  	v1 =	vsel vm12, $0x7, v1;
	v3 =	vsel vm11, $0x5, v3;
	v2 =	vsel vm13, $0x3, v10  }
0x2e1: {  	v3 =	vsel vm14, $0x6, v3;
	[tilespmem:s24+$0x2C00] =	vst v1;
	v1 =	vmul.f32 v58, v16;
	vm14 =	vnez.u8 v4  }
0x2e2: {  	s0 =	sadd.s32 $0x40, s0;
	v2 =	vsel vm14, $0x4, v2  }
0x2e3: {  	s30 =	sadd.s32 $0x40, s17;
	[tilespmem:s0+$0x0] =	vst v1;
	vm15 =	vnez.u8 v63;
	v2 =	vsel vm2, $0x5, v2  }
0x2e4: {  	[tilespmem:s30+$0x0] =	vst v7;
	v3 =	vsel vm15, $0x7, v3;
	v2 =	vsel vm5, $0x6, v2  }
0x2e5: {  	s31 =	sadd.s32 $0x40, s29;
	[tilespmem:s22+$0x2C00] =	vst v3;
	v1 =	vsel vm9, $0x7, v2  }
0x2e6: {  	[tilespmem:s31+$0x0] =	vst v1  }
0x2e7: {  	[hbm4b:s4+s2] =	stream.linear.scatter [tilespmem:s10], [sflag:$0x1], $0x400, $0x38;
	[tilespmem:$0x3000] =	vst v63  }
0x2e8: {  	_ =	swait.ge [sflag:s9], $0x400  }
0x2e9: {  	[sflag:s9] =	ssyncset.done $0x0  }
0x2ea: {  	[sflag:s9] =	ssyncadd.s32 $0xFFFFFC00  }
0x2eb: {  	[hbm4b:s5+s2] =	stream.linear.scatter [tilespmem:s11], [sflag:$0x1], $0x400, $0x38;
	[tilespmem:$0x3000] =	vst v63  }
0x2ec: {  	_ =	swait.ge [sflag:s9], $0x400  }
0x2ed: {  	[sflag:s9] =	ssyncset.done $0x0  }
0x2ee: {  	[sflag:s9] =	ssyncadd.s32 $0xFFFFFC00  }
0x2ef: {  	[hbm4b:s6+s2] =	stream.linear.scatter [tilespmem:s12], [sflag:$0x1], $0x400, $0x38;
	[tilespmem:$0x3000] =	vst v63  }
0x2f0: {  	s14 =	sadd.s32 $0x1, s14;
	_ =	swait.ge [sflag:s9], $0x400  }
0x2f1: {  	p0 =	sne.s32 s14, s8;
	[sflag:s9] =	ssyncset.done $0x0  }
.Ltmp1:
0x2f2: {  	[sflag:s9] =	ssyncadd.s32 $0xFFFFFC00;
	(pc) =	sbr.rel @p0 .LBB2_1-.Ltmp1, $4  }
0x2f3: {  	[hbm4b:s7+s2] =	stream.linear.scatter [tilespmem:s13], [sflag:$0x1], $0x400, $0x38;
	[tilespmem:$0x3000] =	vst v63  }
0x2f4: {  	_ =	swait.ge [sflag:s9], $0x400  }
0x2f5: {  	[sflag:s9] =	ssyncset.done $0x0  }
0x2f6: {  	[sflag:s9] =	ssyncadd.s32 $0xFFFFFC00  }
0x2f7: {  	_ =	sfence.sel $0x180000  }
0x2f8: {  	[bflag:$0x0] =	sbarrier.arrive $0xFFFF  }
0x2f9: {  	_ =	strace $0x90000047  }
0x2fa: {  	[bflag:$0x2] =	sbarrier.arrive $0xFFFF  }
0x2fb: {  	p0 =	sne.s32 s1, $0x0;
	s0 =	rddreg [dreg:$0x2]  }
0x2fc: {  	s0 =	sadd.s32 @!p0 $0x100000, s0  }
0x2fd: {  	[sflag:s0] =	ssyncadd.tile.s32 @!p0 $0x1;
	_ =	shalt  }
.Lfunc_end2:
_tile_overlayer_lowered:
.L_overlay_start_2:
0x2fe: {  	(tag) =	ssettag $0x2  }
0x2ff: {  	s0 =	rddreg [dreg:$0x0];
	s2 =	stileid.u32  }
0x300: {  	s1 =	rddreg [dreg:$0x1];
	p0 =	sne.s32 s2, $0x0  }
0x301: {  	s3 =	rddreg [dreg:$0x2];
	[bflag:$0x3] =	sbarrier.arrive $0xFFFF;
	s2 =	simm.s32 @!p0 $0x1C01  }
0x302: {  	[timem:s3], [sflag:s2] =	dma.local @!p0 [hbm:s0], s1  }
0x303: {  	s0 =	simm.s32 @!p0 $0x1  }
0x304: {  	_ =	swait.ge @!p0 [sflag:s0], s1  }
0x305: {  	s1 =	ssub.s32 @!p0 $0x0, s1;
	[sflag:s0] =	ssyncset.done @!p0 $0x0  }
0x306: {  	[sflag:s0] =	ssyncadd.s32 @!p0 s1  }
0x307: {  	[bflag:$0x3] =	sbarrier.arrive $0xFFFF  }
0x308: {  	_ =	shalt  }

</sc_bundles>
